<compile_context>
chip_gen: v7x
topology: tpu7x:2x2x1
jax: 0.10.2.dev20260603
libtpu: 0.0.44.dev20260713+nightly
codegen_flags: <defaults>
</compile_context>

<pallas_src>
import functools

import jax
import jax.numpy as jnp
from jax import lax
from jax.experimental import pallas as pl
from jax.experimental.pallas import tpu as pltpu
from jax.experimental.pallas import tpu_sc as plsc

EMBED_DIM = 64
NUM_CORES = 2
NUM_SUBCORES = 16
NUM_WORKERS = NUM_CORES * NUM_SUBCORES
CHUNK = 256
NBUF = 4


def _gather_call(batch: int, hist: int):
    mesh = plsc.VectorSubcoreMesh(core_axis_name="c", subcore_axis_name="s")
    b_per_w = batch // NUM_WORKERS
    n_col = b_per_w // CHUNK
    n_step = hist * n_col

    @functools.partial(
        pl.kernel,
        out_type=jax.ShapeDtypeStruct((batch, hist, EMBED_DIM), jnp.float32),
        mesh=mesh,
        scratch_types=[
            pltpu.VMEM((hist, b_per_w), jnp.int32),
            pltpu.VMEM((NBUF, CHUNK, EMBED_DIM), jnp.float32),
            pltpu.SemaphoreType.DMA((NBUF,)),
            pltpu.SemaphoreType.DMA((NBUF,)),
        ],
        compiler_params=pltpu.CompilerParams(use_tc_tiling_on_sc=False),
    )
    def k(idx_hbm, table_hbm, out_hbm, idx_v, rows_v, gsem, osem):
        wid = lax.axis_index("s") * NUM_CORES + lax.axis_index("c")
        base = wid * b_per_w

        pltpu.sync_copy(idx_hbm.at[:, pl.ds(base, b_per_w)], idx_v)

        def gather_start(j, b):
            t = j // n_col
            c0 = (j % n_col) * CHUNK
            pltpu.async_copy(
                table_hbm.at[idx_v.at[t, pl.ds(c0, CHUNK)]],
                rows_v.at[b],
                gsem.at[b],
            )

        def gather_wait(j, b):
            t = j // n_col
            c0 = (j % n_col) * CHUNK
            pltpu.make_async_copy(
                table_hbm.at[idx_v.at[t, pl.ds(c0, CHUNK)]],
                rows_v.at[b],
                gsem.at[b],
            ).wait()

        def out_start(j, b):
            t = j // n_col
            c0 = (j % n_col) * CHUNK
            pltpu.async_copy(
                rows_v.at[b],
                out_hbm.at[pl.ds(base + c0, CHUNK), t, :],
                osem.at[b],
            )

        def out_wait(j, b):
            t = j // n_col
            c0 = (j % n_col) * CHUNK
            pltpu.make_async_copy(
                rows_v.at[b],
                out_hbm.at[pl.ds(base + c0, CHUNK), t, :],
                osem.at[b],
            ).wait()

        for b in range(NBUF):
            gather_start(b, b)

        def outer(o, carry):
            for b in range(NBUF):
                j = o * NBUF + b
                gather_wait(j, b)
                out_start(j, b)

                @pl.when(o < n_step // NBUF - 1)
                def _():
                    out_wait(j, b)
                    gather_start(j + NBUF, b)

            return carry

        lax.fori_loop(0, n_step // NBUF, outer, 0)

        for b in range(NBUF):
            out_wait(n_step - NBUF + b, b)

    return k


def kernel(x, embedding):
    batch, hist = x.shape
    xt = x.T.astype(jnp.int32)
    return _gather_call(batch, hist)(xt, embedding)

# --- scband reference (transcript-rebuilt; emitter-appended) ---
"""Pipeline reference for scband-embedder-63977832841817 (READ-ONLY COPY).

The authoritative reference and input builder live on the scoring server;
editing this copy changes nothing except your own understanding.
"""

import jax, jax.numpy as jnp
import numpy as np

VOCAB_SIZE = 1000000
EMBED_DIM = 64
BATCH = 16384
HIST_LEN = 50


def setup_inputs(seed: int = 0) -> dict:
    key = jax.random.key(seed)
    k_idx, k_tab = jax.random.split(key)
    x = jax.random.randint(k_idx, (BATCH, HIST_LEN), 0, VOCAB_SIZE, dtype=jnp.int64 if jax.config.jax_enable_x64 else jnp.int32)
    # Learned parameter: embedding table, normal init as in nn.initializers.normal() (stddev=0.01)
    embedding = jax.random.normal(k_tab, (VOCAB_SIZE, EMBED_DIM), dtype=jnp.float32) * 0.01
    return {"x": x, "embedding": embedding}


def reference(x, embedding):
    # Faithful translation of Embedder.encode: table lookup via fancy indexing
    out = embedding[x,]
    return out

if __name__ == "__main__":
    import jax
    _d = setup_inputs()
    print(jax.jit(kernel)(*tuple(_d.values())))

</pallas_src>

<mosaic_0001>
#map = affine_map<(d0, d1) -> (0, 0)>
#map1 = affine_map<(d0, d1) -> (0, 0, 0)>
module attributes {stable_mosaic.version = 14 : i64} {
  func.func @k(%arg0: i32, %arg1: i32, %arg2: memref<50x16384xi32, #tpu.memory_space<hbm>>, %arg3: memref<1000000x64xf32, #tpu.memory_space<hbm>>, %arg4: memref<16384x50x64xf32, #tpu.memory_space<hbm>>, %arg5: memref<50x512xi32, #tpu.memory_space<vmem>>, %arg6: memref<4x256x64xf32, #tpu.memory_space<vmem>>, %arg7: memref<4x!tpu.dma_semaphore, #tpu.memory_space<semaphore_mem>>, %arg8: memref<4x!tpu.dma_semaphore, #tpu.memory_space<semaphore_mem>>) attributes {dimension_semantics = [#tpu.dimension_semantics<core_parallel>, #tpu.dimension_semantics<subcore_parallel>], iteration_bounds = array<i64: 2, 16>, scalar_prefetch = 0 : i64, scratch_operands = 4 : i64, tpu.core_type = #tpu.core_type<sc_vector_subcore>, window_params = [{transform_indices = #map}, {transform_indices = #map}, {transform_indices = #map1}]} {
    %mul3A = arith.constant 2 : i32
    %mul3A_0 = arith.muli %arg1, %mul3A : i32
    %add3A = arith.addi %mul3A_0, %arg0 : i32
    %mul3A_1 = arith.constant 512 : i32
    %mul3A_2 = arith.muli %add3A, %mul3A_1 : i32
    "tpu.region"() ({
      %run_scoped3A = tpu.sem_alloc : memref<!tpu.dma_semaphore, #tpu.memory_space<semaphore_mem>>
      %dma_start3A_150 = arith.constant 0 : i32
      %dma_start3A_151 = tpu.memref_slice %arg2[%dma_start3A_150, %mul3A_2] : memref<50x16384xi32, #tpu.memory_space<hbm>> -> memref<50x512xi32, #tpu.memory_space<hbm>>
      %dma_start3A_152 = arith.constant 0 : i32
      %dma_start3A_153 = tpu.memref_slice %arg2[%dma_start3A_152, %mul3A_2] : memref<50x16384xi32, #tpu.memory_space<hbm>> -> memref<50x512xi32, #tpu.memory_space<hbm>>
      tpu.enqueue_dma source(%dma_start3A_153 : memref<50x512xi32, #tpu.memory_space<hbm>>) target(%arg5 : memref<50x512xi32, #tpu.memory_space<vmem>>) target_semaphore(%run_scoped3A : memref<!tpu.dma_semaphore, #tpu.memory_space<semaphore_mem>>)
      %dma_wait3A_154 = arith.constant 0 : i32
      %dma_wait3A_155 = tpu.memref_slice %arg2[%dma_wait3A_154, %mul3A_2] : memref<50x16384xi32, #tpu.memory_space<hbm>> -> memref<50x512xi32, #tpu.memory_space<hbm>>
      %dma_wait3A_156 = arith.constant 0 : i32
      %dma_wait3A_157 = tpu.memref_slice %arg2[%dma_wait3A_156, %mul3A_2] : memref<50x16384xi32, #tpu.memory_space<hbm>> -> memref<50x512xi32, #tpu.memory_space<hbm>>
      tpu.wait_dma2 semaphore(%run_scoped3A : memref<!tpu.dma_semaphore, #tpu.memory_space<semaphore_mem>>) src(%dma_wait3A_157 : memref<50x512xi32, #tpu.memory_space<hbm>>) dst(%arg5 : memref<50x512xi32, #tpu.memory_space<vmem>>)
      tpu.yield
    }) : () -> ()
    %dma_start3A = arith.constant 0 : i32
    %dma_start3A_3 = arith.constant 0 : i32
    %dma_start3A_4 = arith.constant 0 : i32
    %dma_start3A_5 = arith.constant 0 : i32
    %dma_start3A_6 = arith.constant 0 : i32
    %dma_start3A_7 = tpu.memref_slice %arg6[%dma_start3A_3, %dma_start3A_5, %dma_start3A_6] : memref<4x256x64xf32, #tpu.memory_space<vmem>> -> memref<1x256x64xf32, #tpu.memory_space<vmem>>
    %dma_start3A_8 = tpu.memref_squeeze %dma_start3A_7 : memref<1x256x64xf32, #tpu.memory_space<vmem>> -> memref<256x64xf32, #tpu.memory_space<vmem>>
    %dma_start3A_9 = arith.constant 0 : i32
    %dma_start3A_10 = tpu.memref_slice %arg5[%dma_start3A, %dma_start3A_9] : memref<50x512xi32, #tpu.memory_space<vmem>> -> memref<1x256xi32, #tpu.memory_space<vmem>>
    %dma_start3A_11 = tpu.memref_squeeze %dma_start3A_10 : memref<1x256xi32, #tpu.memory_space<vmem>> -> memref<256xi32, #tpu.memory_space<vmem>>
    %dma_start3A_12 = arith.constant 0 : i32
    %dma_start3A_13 = arith.constant 0 : i32
    %dma_start3A_14 = tpu.memref_slice %arg3[%dma_start3A_12, %dma_start3A_13] : memref<1000000x64xf32, #tpu.memory_space<hbm>> -> memref<1000000x64xf32, #tpu.memory_space<hbm>>
    %dma_start3A_15 = tpu.memref_slice %arg7[%dma_start3A_4] : memref<4x!tpu.dma_semaphore, #tpu.memory_space<semaphore_mem>> -> memref<1x!tpu.dma_semaphore, #tpu.memory_space<semaphore_mem>>
    %dma_start3A_16 = tpu.memref_squeeze %dma_start3A_15 : memref<1x!tpu.dma_semaphore, #tpu.memory_space<semaphore_mem>> -> memref<!tpu.dma_semaphore, #tpu.memory_space<semaphore_mem>>
    tpu.enqueue_indirect_dma source(%dma_start3A_14 : memref<1000000x64xf32, #tpu.memory_space<hbm>>) target(%dma_start3A_8 : memref<256x64xf32, #tpu.memory_space<vmem>>) offsets(%dma_start3A_11 : memref<256xi32, #tpu.memory_space<vmem>>) semaphore(%dma_start3A_16 : memref<!tpu.dma_semaphore, #tpu.memory_space<semaphore_mem>>)
    %dma_start3A_17 = arith.constant 0 : i32
    %dma_start3A_18 = arith.constant 1 : i32
    %dma_start3A_19 = arith.constant 1 : i32
    %dma_start3A_20 = arith.constant 0 : i32
    %dma_start3A_21 = arith.constant 0 : i32
    %dma_start3A_22 = tpu.memref_slice %arg6[%dma_start3A_18, %dma_start3A_20, %dma_start3A_21] : memref<4x256x64xf32, #tpu.memory_space<vmem>> -> memref<1x256x64xf32, #tpu.memory_space<vmem>>
    %dma_start3A_23 = tpu.memref_squeeze %dma_start3A_22 : memref<1x256x64xf32, #tpu.memory_space<vmem>> -> memref<256x64xf32, #tpu.memory_space<vmem>>
    %dma_start3A_24 = arith.constant 256 : i32
    %dma_start3A_25 = tpu.memref_slice %arg5[%dma_start3A_17, %dma_start3A_24] : memref<50x512xi32, #tpu.memory_space<vmem>> -> memref<1x256xi32, #tpu.memory_space<vmem>>
    %dma_start3A_26 = tpu.memref_squeeze %dma_start3A_25 : memref<1x256xi32, #tpu.memory_space<vmem>> -> memref<256xi32, #tpu.memory_space<vmem>>
    %dma_start3A_27 = arith.constant 0 : i32
    %dma_start3A_28 = arith.constant 0 : i32
    %dma_start3A_29 = tpu.memref_slice %arg3[%dma_start3A_27, %dma_start3A_28] : memref<1000000x64xf32, #tpu.memory_space<hbm>> -> memref<1000000x64xf32, #tpu.memory_space<hbm>>
    %dma_start3A_30 = tpu.memref_slice %arg7[%dma_start3A_19] : memref<4x!tpu.dma_semaphore, #tpu.memory_space<semaphore_mem>> -> memref<1x!tpu.dma_semaphore, #tpu.memory_space<semaphore_mem>>
    %dma_start3A_31 = tpu.memref_squeeze %dma_start3A_30 : memref<1x!tpu.dma_semaphore, #tpu.memory_space<semaphore_mem>> -> memref<!tpu.dma_semaphore, #tpu.memory_space<semaphore_mem>>
    tpu.enqueue_indirect_dma source(%dma_start3A_29 : memref<1000000x64xf32, #tpu.memory_space<hbm>>) target(%dma_start3A_23 : memref<256x64xf32, #tpu.memory_space<vmem>>) offsets(%dma_start3A_26 : memref<256xi32, #tpu.memory_space<vmem>>) semaphore(%dma_start3A_31 : memref<!tpu.dma_semaphore, #tpu.memory_space<semaphore_mem>>)
    %dma_start3A_32 = arith.constant 1 : i32
    %dma_start3A_33 = arith.constant 2 : i32
    %dma_start3A_34 = arith.constant 2 : i32
    %dma_start3A_35 = arith.constant 0 : i32
    %dma_start3A_36 = arith.constant 0 : i32
    %dma_start3A_37 = tpu.memref_slice %arg6[%dma_start3A_33, %dma_start3A_35, %dma_start3A_36] : memref<4x256x64xf32, #tpu.memory_space<vmem>> -> memref<1x256x64xf32, #tpu.memory_space<vmem>>
    %dma_start3A_38 = tpu.memref_squeeze %dma_start3A_37 : memref<1x256x64xf32, #tpu.memory_space<vmem>> -> memref<256x64xf32, #tpu.memory_space<vmem>>
    %dma_start3A_39 = arith.constant 0 : i32
    %dma_start3A_40 = tpu.memref_slice %arg5[%dma_start3A_32, %dma_start3A_39] : memref<50x512xi32, #tpu.memory_space<vmem>> -> memref<1x256xi32, #tpu.memory_space<vmem>>
    %dma_start3A_41 = tpu.memref_squeeze %dma_start3A_40 : memref<1x256xi32, #tpu.memory_space<vmem>> -> memref<256xi32, #tpu.memory_space<vmem>>
    %dma_start3A_42 = arith.constant 0 : i32
    %dma_start3A_43 = arith.constant 0 : i32
    %dma_start3A_44 = tpu.memref_slice %arg3[%dma_start3A_42, %dma_start3A_43] : memref<1000000x64xf32, #tpu.memory_space<hbm>> -> memref<1000000x64xf32, #tpu.memory_space<hbm>>
    %dma_start3A_45 = tpu.memref_slice %arg7[%dma_start3A_34] : memref<4x!tpu.dma_semaphore, #tpu.memory_space<semaphore_mem>> -> memref<1x!tpu.dma_semaphore, #tpu.memory_space<semaphore_mem>>
    %dma_start3A_46 = tpu.memref_squeeze %dma_start3A_45 : memref<1x!tpu.dma_semaphore, #tpu.memory_space<semaphore_mem>> -> memref<!tpu.dma_semaphore, #tpu.memory_space<semaphore_mem>>
    tpu.enqueue_indirect_dma source(%dma_start3A_44 : memref<1000000x64xf32, #tpu.memory_space<hbm>>) target(%dma_start3A_38 : memref<256x64xf32, #tpu.memory_space<vmem>>) offsets(%dma_start3A_41 : memref<256xi32, #tpu.memory_space<vmem>>) semaphore(%dma_start3A_46 : memref<!tpu.dma_semaphore, #tpu.memory_space<semaphore_mem>>)
    %dma_start3A_47 = arith.constant 1 : i32
    %dma_start3A_48 = arith.constant 3 : i32
    %dma_start3A_49 = arith.constant 3 : i32
    %dma_start3A_50 = arith.constant 0 : i32
    %dma_start3A_51 = arith.constant 0 : i32
    %dma_start3A_52 = tpu.memref_slice %arg6[%dma_start3A_48, %dma_start3A_50, %dma_start3A_51] : memref<4x256x64xf32, #tpu.memory_space<vmem>> -> memref<1x256x64xf32, #tpu.memory_space<vmem>>
    %dma_start3A_53 = tpu.memref_squeeze %dma_start3A_52 : memref<1x256x64xf32, #tpu.memory_space<vmem>> -> memref<256x64xf32, #tpu.memory_space<vmem>>
    %dma_start3A_54 = arith.constant 256 : i32
    %dma_start3A_55 = tpu.memref_slice %arg5[%dma_start3A_47, %dma_start3A_54] : memref<50x512xi32, #tpu.memory_space<vmem>> -> memref<1x256xi32, #tpu.memory_space<vmem>>
    %dma_start3A_56 = tpu.memref_squeeze %dma_start3A_55 : memref<1x256xi32, #tpu.memory_space<vmem>> -> memref<256xi32, #tpu.memory_space<vmem>>
    %dma_start3A_57 = arith.constant 0 : i32
    %dma_start3A_58 = arith.constant 0 : i32
    %dma_start3A_59 = tpu.memref_slice %arg3[%dma_start3A_57, %dma_start3A_58] : memref<1000000x64xf32, #tpu.memory_space<hbm>> -> memref<1000000x64xf32, #tpu.memory_space<hbm>>
    %dma_start3A_60 = tpu.memref_slice %arg7[%dma_start3A_49] : memref<4x!tpu.dma_semaphore, #tpu.memory_space<semaphore_mem>> -> memref<1x!tpu.dma_semaphore, #tpu.memory_space<semaphore_mem>>
    %dma_start3A_61 = tpu.memref_squeeze %dma_start3A_60 : memref<1x!tpu.dma_semaphore, #tpu.memory_space<semaphore_mem>> -> memref<!tpu.dma_semaphore, #tpu.memory_space<semaphore_mem>>
    tpu.enqueue_indirect_dma source(%dma_start3A_59 : memref<1000000x64xf32, #tpu.memory_space<hbm>>) target(%dma_start3A_53 : memref<256x64xf32, #tpu.memory_space<vmem>>) offsets(%dma_start3A_56 : memref<256xi32, #tpu.memory_space<vmem>>) semaphore(%dma_start3A_61 : memref<!tpu.dma_semaphore, #tpu.memory_space<semaphore_mem>>)
    %scan3A = arith.constant 0 : i32
    %scan3A_62 = arith.constant 0 : i32
    %scan3A_63 = arith.constant 25 : i32
    %scan3A_64 = arith.addi %scan3A_62, %scan3A_63 : i32
    %scan3A_65 = arith.constant 1 : i32
    scf.for %scan3A_150 = %scan3A_62 to %scan3A_64 step %scan3A_65  : i32 {
      %mul3A_151 = arith.constant 4 : i32
      %mul3A_152 = arith.muli %scan3A_150, %mul3A_151 : i32
      %add3A_153 = arith.constant 0 : i32
      %add3A_154 = arith.addi %mul3A_152, %add3A_153 : i32
      %jit3A = arith.constant 2 : i32
      %div3A = arith.divsi %add3A_154, %jit3A : i32
      %sign3A = arith.constant 0 : i32
      %sign3A_155 = arith.cmpi sgt, %add3A_154, %sign3A : i32
      %sign3A_156 = arith.extui %sign3A_155 : i1 to i32
      %sign3A_157 = arith.constant 0 : i32
      %sign3A_158 = arith.cmpi slt, %add3A_154, %sign3A_157 : i32
      %sign3A_159 = arith.extui %sign3A_158 : i1 to i32
      %sign3A_160 = arith.subi %sign3A_156, %sign3A_159 : i32
      %sign3A_161 = arith.constant 0 : i32
      %sign3A_162 = arith.cmpi sgt, %jit3A, %sign3A_161 : i32
      %sign3A_163 = arith.extui %sign3A_162 : i1 to i32
      %sign3A_164 = arith.constant 0 : i32
      %sign3A_165 = arith.cmpi slt, %jit3A, %sign3A_164 : i32
      %sign3A_166 = arith.extui %sign3A_165 : i1 to i32
      %sign3A_167 = arith.subi %sign3A_163, %sign3A_166 : i32
      %ne3A = arith.cmpi ne, %sign3A_160, %sign3A_167 : i32
      %rem3A = arith.remsi %add3A_154, %jit3A : i32
      %ne3A_168 = arith.constant 0 : i32
      %ne3A_169 = arith.cmpi ne, %rem3A, %ne3A_168 : i32
      %and3A = arith.andi %ne3A, %ne3A_169 : i1
      %sub3A = arith.constant 1 : i32
      %sub3A_170 = arith.subi %div3A, %sub3A : i32
      %select_n3A = arith.select %and3A, %sub3A_170, %div3A : i32
      %jit3A_171 = arith.constant 2 : i32
      %eq3A = arith.constant 0 : i32
      %eq3A_172 = arith.cmpi eq, %jit3A_171, %eq3A : i32
      %jit3A_173 = arith.constant 1 : i32
      %select_n3A_174 = arith.select %eq3A_172, %jit3A_173, %jit3A_171 : i32
      %rem3A_175 = arith.remsi %add3A_154, %select_n3A_174 : i32
      %ne3A_176 = arith.constant 0 : i32
      %ne3A_177 = arith.cmpi ne, %rem3A_175, %ne3A_176 : i32
      %lt3A = arith.constant 0 : i32
      %lt3A_178 = arith.cmpi slt, %rem3A_175, %lt3A : i32
      %lt3A_179 = arith.constant 0 : i32
      %lt3A_180 = arith.cmpi slt, %select_n3A_174, %lt3A_179 : i32
      %ne3A_181 = arith.xori %lt3A_178, %lt3A_180 : i1
      %and3A_182 = arith.andi %ne3A_181, %ne3A_177 : i1
      %add3A_183 = arith.addi %rem3A_175, %select_n3A_174 : i32
      %select_n3A_184 = arith.select %and3A_182, %add3A_183, %rem3A_175 : i32
      %mul3A_185 = arith.constant 256 : i32
      %mul3A_186 = arith.muli %select_n3A_184, %mul3A_185 : i32
      %dma_wait3A_187 = arith.constant 0 : i32
      %dma_wait3A_188 = arith.constant 0 : i32
      %dma_wait3A_189 = arith.constant 0 : i32
      %dma_wait3A_190 = arith.constant 0 : i32
      %dma_wait3A_191 = tpu.memref_slice %arg6[%dma_wait3A_187, %dma_wait3A_189, %dma_wait3A_190] : memref<4x256x64xf32, #tpu.memory_space<vmem>> -> memref<1x256x64xf32, #tpu.memory_space<vmem>>
      %dma_wait3A_192 = tpu.memref_squeeze %dma_wait3A_191 : memref<1x256x64xf32, #tpu.memory_space<vmem>> -> memref<256x64xf32, #tpu.memory_space<vmem>>
      %dma_wait3A_193 = tpu.memref_slice %arg5[%select_n3A, %mul3A_186] : memref<50x512xi32, #tpu.memory_space<vmem>> -> memref<1x256xi32, #tpu.memory_space<vmem>>
      %dma_wait3A_194 = tpu.memref_squeeze %dma_wait3A_193 : memref<1x256xi32, #tpu.memory_space<vmem>> -> memref<256xi32, #tpu.memory_space<vmem>>
      %dma_wait3A_195 = arith.constant 0 : i32
      %dma_wait3A_196 = arith.constant 0 : i32
      %dma_wait3A_197 = tpu.memref_slice %arg3[%dma_wait3A_195, %dma_wait3A_196] : memref<1000000x64xf32, #tpu.memory_space<hbm>> -> memref<1000000x64xf32, #tpu.memory_space<hbm>>
      %dma_wait3A_198 = tpu.memref_slice %arg7[%dma_wait3A_188] : memref<4x!tpu.dma_semaphore, #tpu.memory_space<semaphore_mem>> -> memref<1x!tpu.dma_semaphore, #tpu.memory_space<semaphore_mem>>
      %dma_wait3A_199 = tpu.memref_squeeze %dma_wait3A_198 : memref<1x!tpu.dma_semaphore, #tpu.memory_space<semaphore_mem>> -> memref<!tpu.dma_semaphore, #tpu.memory_space<semaphore_mem>>
      tpu.wait_indirect_dma semaphore(%dma_wait3A_199 : memref<!tpu.dma_semaphore, #tpu.memory_space<semaphore_mem>>) src(%dma_wait3A_197 : memref<1000000x64xf32, #tpu.memory_space<hbm>>) dst(%dma_wait3A_192 : memref<256x64xf32, #tpu.memory_space<vmem>>)
      %jit3A_200 = arith.constant 2 : i32
      %div3A_201 = arith.divsi %add3A_154, %jit3A_200 : i32
      %sign3A_202 = arith.constant 0 : i32
      %sign3A_203 = arith.cmpi sgt, %add3A_154, %sign3A_202 : i32
      %sign3A_204 = arith.extui %sign3A_203 : i1 to i32
      %sign3A_205 = arith.constant 0 : i32
      %sign3A_206 = arith.cmpi slt, %add3A_154, %sign3A_205 : i32
      %sign3A_207 = arith.extui %sign3A_206 : i1 to i32
      %sign3A_208 = arith.subi %sign3A_204, %sign3A_207 : i32
      %sign3A_209 = arith.constant 0 : i32
      %sign3A_210 = arith.cmpi sgt, %jit3A_200, %sign3A_209 : i32
      %sign3A_211 = arith.extui %sign3A_210 : i1 to i32
      %sign3A_212 = arith.constant 0 : i32
      %sign3A_213 = arith.cmpi slt, %jit3A_200, %sign3A_212 : i32
      %sign3A_214 = arith.extui %sign3A_213 : i1 to i32
      %sign3A_215 = arith.subi %sign3A_211, %sign3A_214 : i32
      %ne3A_216 = arith.cmpi ne, %sign3A_208, %sign3A_215 : i32
      %rem3A_217 = arith.remsi %add3A_154, %jit3A_200 : i32
      %ne3A_218 = arith.constant 0 : i32
      %ne3A_219 = arith.cmpi ne, %rem3A_217, %ne3A_218 : i32
      %and3A_220 = arith.andi %ne3A_216, %ne3A_219 : i1
      %sub3A_221 = arith.constant 1 : i32
      %sub3A_222 = arith.subi %div3A_201, %sub3A_221 : i32
      %select_n3A_223 = arith.select %and3A_220, %sub3A_222, %div3A_201 : i32
      %jit3A_224 = arith.constant 2 : i32
      %eq3A_225 = arith.constant 0 : i32
      %eq3A_226 = arith.cmpi eq, %jit3A_224, %eq3A_225 : i32
      %jit3A_227 = arith.constant 1 : i32
      %select_n3A_228 = arith.select %eq3A_226, %jit3A_227, %jit3A_224 : i32
      %rem3A_229 = arith.remsi %add3A_154, %select_n3A_228 : i32
      %ne3A_230 = arith.constant 0 : i32
      %ne3A_231 = arith.cmpi ne, %rem3A_229, %ne3A_230 : i32
      %lt3A_232 = arith.constant 0 : i32
      %lt3A_233 = arith.cmpi slt, %rem3A_229, %lt3A_232 : i32
      %lt3A_234 = arith.constant 0 : i32
      %lt3A_235 = arith.cmpi slt, %select_n3A_228, %lt3A_234 : i32
      %ne3A_236 = arith.xori %lt3A_233, %lt3A_235 : i1
      %and3A_237 = arith.andi %ne3A_236, %ne3A_231 : i1
      %add3A_238 = arith.addi %rem3A_229, %select_n3A_228 : i32
      %select_n3A_239 = arith.select %and3A_237, %add3A_238, %rem3A_229 : i32
      %mul3A_240 = arith.constant 256 : i32
      %mul3A_241 = arith.muli %select_n3A_239, %mul3A_240 : i32
      %add3A_242 = arith.addi %mul3A_2, %mul3A_241 : i32
      %dma_start3A_243 = arith.constant 0 : i32
      %dma_start3A_244 = arith.constant 0 : i32
      %dma_start3A_245 = arith.constant 0 : i32
      %dma_start3A_246 = arith.constant 0 : i32
      %dma_start3A_247 = tpu.memref_slice %arg6[%dma_start3A_243, %dma_start3A_245, %dma_start3A_246] : memref<4x256x64xf32, #tpu.memory_space<vmem>> -> memref<1x256x64xf32, #tpu.memory_space<vmem>>
      %dma_start3A_248 = tpu.memref_squeeze %dma_start3A_247 : memref<1x256x64xf32, #tpu.memory_space<vmem>> -> memref<256x64xf32, #tpu.memory_space<vmem>>
      %dma_start3A_249 = arith.constant 0 : i32
      %dma_start3A_250 = tpu.memref_slice %arg4[%add3A_242, %select_n3A_223, %dma_start3A_249] : memref<16384x50x64xf32, #tpu.memory_space<hbm>> -> memref<256x1x64xf32, #tpu.memory_space<hbm>>
      %dma_start3A_251 = tpu.memref_squeeze %dma_start3A_250 : memref<256x1x64xf32, #tpu.memory_space<hbm>> -> memref<256x64xf32, #tpu.memory_space<hbm>>
      %dma_start3A_252 = tpu.memref_slice %arg8[%dma_start3A_244] : memref<4x!tpu.dma_semaphore, #tpu.memory_space<semaphore_mem>> -> memref<1x!tpu.dma_semaphore, #tpu.memory_space<semaphore_mem>>
      %dma_start3A_253 = tpu.memref_squeeze %dma_start3A_252 : memref<1x!tpu.dma_semaphore, #tpu.memory_space<semaphore_mem>> -> memref<!tpu.dma_semaphore, #tpu.memory_space<semaphore_mem>>
      %dma_start3A_254 = arith.constant 0 : i32
      %dma_start3A_255 = tpu.memref_slice %arg4[%add3A_242, %select_n3A_223, %dma_start3A_254] : memref<16384x50x64xf32, #tpu.memory_space<hbm>> -> memref<256x1x64xf32, #tpu.memory_space<hbm>>
      %dma_start3A_256 = tpu.memref_squeeze %dma_start3A_255 : memref<256x1x64xf32, #tpu.memory_space<hbm>> -> memref<256x64xf32, #tpu.memory_space<hbm>>
      %dma_start3A_257 = arith.constant 0 : i32
      %dma_start3A_258 = arith.constant 0 : i32
      %dma_start3A_259 = tpu.memref_slice %arg6[%dma_start3A_243, %dma_start3A_257, %dma_start3A_258] : memref<4x256x64xf32, #tpu.memory_space<vmem>> -> memref<1x256x64xf32, #tpu.memory_space<vmem>>
      %dma_start3A_260 = tpu.memref_squeeze %dma_start3A_259 : memref<1x256x64xf32, #tpu.memory_space<vmem>> -> memref<256x64xf32, #tpu.memory_space<vmem>>
      tpu.enqueue_dma source(%dma_start3A_260 : memref<256x64xf32, #tpu.memory_space<vmem>>) target(%dma_start3A_256 : memref<256x64xf32, #tpu.memory_space<hbm>>) target_semaphore(%dma_start3A_253 : memref<!tpu.dma_semaphore, #tpu.memory_space<semaphore_mem>>)
      %lt3A_261 = arith.constant 24 : i32
      %lt3A_262 = arith.cmpi slt, %scan3A_150, %lt3A_261 : i32
      %convert_element_type3A = arith.extui %lt3A_262 : i1 to i32
      %cond3A = arith.constant 0 : i32
      %cond3A_263 = arith.cmpi ne, %convert_element_type3A, %cond3A : i32
      scf.if %cond3A_263 {
        %jit3A_639 = arith.constant 2 : i32
        %div3A_640 = arith.divsi %add3A_154, %jit3A_639 : i32
        %sign3A_641 = arith.constant 0 : i32
        %sign3A_642 = arith.cmpi sgt, %add3A_154, %sign3A_641 : i32
        %sign3A_643 = arith.extui %sign3A_642 : i1 to i32
        %sign3A_644 = arith.constant 0 : i32
        %sign3A_645 = arith.cmpi slt, %add3A_154, %sign3A_644 : i32
        %sign3A_646 = arith.extui %sign3A_645 : i1 to i32
        %sign3A_647 = arith.subi %sign3A_643, %sign3A_646 : i32
        %sign3A_648 = arith.constant 0 : i32
        %sign3A_649 = arith.cmpi sgt, %jit3A_639, %sign3A_648 : i32
        %sign3A_650 = arith.extui %sign3A_649 : i1 to i32
        %sign3A_651 = arith.constant 0 : i32
        %sign3A_652 = arith.cmpi slt, %jit3A_639, %sign3A_651 : i32
        %sign3A_653 = arith.extui %sign3A_652 : i1 to i32
        %sign3A_654 = arith.subi %sign3A_650, %sign3A_653 : i32
        %ne3A_655 = arith.cmpi ne, %sign3A_647, %sign3A_654 : i32
        %rem3A_656 = arith.remsi %add3A_154, %jit3A_639 : i32
        %ne3A_657 = arith.constant 0 : i32
        %ne3A_658 = arith.cmpi ne, %rem3A_656, %ne3A_657 : i32
        %and3A_659 = arith.andi %ne3A_655, %ne3A_658 : i1
        %sub3A_660 = arith.constant 1 : i32
        %sub3A_661 = arith.subi %div3A_640, %sub3A_660 : i32
        %select_n3A_662 = arith.select %and3A_659, %sub3A_661, %div3A_640 : i32
        %jit3A_663 = arith.constant 2 : i32
        %eq3A_664 = arith.constant 0 : i32
        %eq3A_665 = arith.cmpi eq, %jit3A_663, %eq3A_664 : i32
        %jit3A_666 = arith.constant 1 : i32
        %select_n3A_667 = arith.select %eq3A_665, %jit3A_666, %jit3A_663 : i32
        %rem3A_668 = arith.remsi %add3A_154, %select_n3A_667 : i32
        %ne3A_669 = arith.constant 0 : i32
        %ne3A_670 = arith.cmpi ne, %rem3A_668, %ne3A_669 : i32
        %lt3A_671 = arith.constant 0 : i32
        %lt3A_672 = arith.cmpi slt, %rem3A_668, %lt3A_671 : i32
        %lt3A_673 = arith.constant 0 : i32
        %lt3A_674 = arith.cmpi slt, %select_n3A_667, %lt3A_673 : i32
        %ne3A_675 = arith.xori %lt3A_672, %lt3A_674 : i1
        %and3A_676 = arith.andi %ne3A_675, %ne3A_670 : i1
        %add3A_677 = arith.addi %rem3A_668, %select_n3A_667 : i32
        %select_n3A_678 = arith.select %and3A_676, %add3A_677, %rem3A_668 : i32
        %mul3A_679 = arith.constant 256 : i32
        %mul3A_680 = arith.muli %select_n3A_678, %mul3A_679 : i32
        %add3A_681 = arith.addi %mul3A_2, %mul3A_680 : i32
        %dma_wait3A_682 = arith.constant 0 : i32
        %dma_wait3A_683 = arith.constant 0 : i32
        %dma_wait3A_684 = arith.constant 0 : i32
        %dma_wait3A_685 = arith.constant 0 : i32
        %dma_wait3A_686 = tpu.memref_slice %arg6[%dma_wait3A_682, %dma_wait3A_684, %dma_wait3A_685] : memref<4x256x64xf32, #tpu.memory_space<vmem>> -> memref<1x256x64xf32, #tpu.memory_space<vmem>>
        %dma_wait3A_687 = tpu.memref_squeeze %dma_wait3A_686 : memref<1x256x64xf32, #tpu.memory_space<vmem>> -> memref<256x64xf32, #tpu.memory_space<vmem>>
        %dma_wait3A_688 = arith.constant 0 : i32
        %dma_wait3A_689 = tpu.memref_slice %arg4[%add3A_681, %select_n3A_662, %dma_wait3A_688] : memref<16384x50x64xf32, #tpu.memory_space<hbm>> -> memref<256x1x64xf32, #tpu.memory_space<hbm>>
        %dma_wait3A_690 = tpu.memref_squeeze %dma_wait3A_689 : memref<256x1x64xf32, #tpu.memory_space<hbm>> -> memref<256x64xf32, #tpu.memory_space<hbm>>
        %dma_wait3A_691 = tpu.memref_slice %arg8[%dma_wait3A_683] : memref<4x!tpu.dma_semaphore, #tpu.memory_space<semaphore_mem>> -> memref<1x!tpu.dma_semaphore, #tpu.memory_space<semaphore_mem>>
        %dma_wait3A_692 = tpu.memref_squeeze %dma_wait3A_691 : memref<1x!tpu.dma_semaphore, #tpu.memory_space<semaphore_mem>> -> memref<!tpu.dma_semaphore, #tpu.memory_space<semaphore_mem>>
        %dma_wait3A_693 = arith.constant 0 : i32
        %dma_wait3A_694 = tpu.memref_slice %arg4[%add3A_681, %select_n3A_662, %dma_wait3A_693] : memref<16384x50x64xf32, #tpu.memory_space<hbm>> -> memref<256x1x64xf32, #tpu.memory_space<hbm>>
        %dma_wait3A_695 = tpu.memref_squeeze %dma_wait3A_694 : memref<256x1x64xf32, #tpu.memory_space<hbm>> -> memref<256x64xf32, #tpu.memory_space<hbm>>
        %dma_wait3A_696 = arith.constant 0 : i32
        %dma_wait3A_697 = arith.constant 0 : i32
        %dma_wait3A_698 = tpu.memref_slice %arg6[%dma_wait3A_682, %dma_wait3A_696, %dma_wait3A_697] : memref<4x256x64xf32, #tpu.memory_space<vmem>> -> memref<1x256x64xf32, #tpu.memory_space<vmem>>
        %dma_wait3A_699 = tpu.memref_squeeze %dma_wait3A_698 : memref<1x256x64xf32, #tpu.memory_space<vmem>> -> memref<256x64xf32, #tpu.memory_space<vmem>>
        tpu.wait_dma2 semaphore(%dma_wait3A_692 : memref<!tpu.dma_semaphore, #tpu.memory_space<semaphore_mem>>) src(%dma_wait3A_699 : memref<256x64xf32, #tpu.memory_space<vmem>>) dst(%dma_wait3A_695 : memref<256x64xf32, #tpu.memory_space<hbm>>)
        %add3A_700 = arith.constant 4 : i32
        %add3A_701 = arith.addi %add3A_154, %add3A_700 : i32
        %jit3A_702 = arith.constant 2 : i32
        %div3A_703 = arith.divsi %add3A_701, %jit3A_702 : i32
        %sign3A_704 = arith.constant 0 : i32
        %sign3A_705 = arith.cmpi sgt, %add3A_701, %sign3A_704 : i32
        %sign3A_706 = arith.extui %sign3A_705 : i1 to i32
        %sign3A_707 = arith.constant 0 : i32
        %sign3A_708 = arith.cmpi slt, %add3A_701, %sign3A_707 : i32
        %sign3A_709 = arith.extui %sign3A_708 : i1 to i32
        %sign3A_710 = arith.subi %sign3A_706, %sign3A_709 : i32
        %sign3A_711 = arith.constant 0 : i32
        %sign3A_712 = arith.cmpi sgt, %jit3A_702, %sign3A_711 : i32
        %sign3A_713 = arith.extui %sign3A_712 : i1 to i32
        %sign3A_714 = arith.constant 0 : i32
        %sign3A_715 = arith.cmpi slt, %jit3A_702, %sign3A_714 : i32
        %sign3A_716 = arith.extui %sign3A_715 : i1 to i32
        %sign3A_717 = arith.subi %sign3A_713, %sign3A_716 : i32
        %ne3A_718 = arith.cmpi ne, %sign3A_710, %sign3A_717 : i32
        %rem3A_719 = arith.remsi %add3A_701, %jit3A_702 : i32
        %ne3A_720 = arith.constant 0 : i32
        %ne3A_721 = arith.cmpi ne, %rem3A_719, %ne3A_720 : i32
        %and3A_722 = arith.andi %ne3A_718, %ne3A_721 : i1
        %sub3A_723 = arith.constant 1 : i32
        %sub3A_724 = arith.subi %div3A_703, %sub3A_723 : i32
        %select_n3A_725 = arith.select %and3A_722, %sub3A_724, %div3A_703 : i32
        %jit3A_726 = arith.constant 2 : i32
        %eq3A_727 = arith.constant 0 : i32
        %eq3A_728 = arith.cmpi eq, %jit3A_726, %eq3A_727 : i32
        %jit3A_729 = arith.constant 1 : i32
        %select_n3A_730 = arith.select %eq3A_728, %jit3A_729, %jit3A_726 : i32
        %rem3A_731 = arith.remsi %add3A_701, %select_n3A_730 : i32
        %ne3A_732 = arith.constant 0 : i32
        %ne3A_733 = arith.cmpi ne, %rem3A_731, %ne3A_732 : i32
        %lt3A_734 = arith.constant 0 : i32
        %lt3A_735 = arith.cmpi slt, %rem3A_731, %lt3A_734 : i32
        %lt3A_736 = arith.constant 0 : i32
        %lt3A_737 = arith.cmpi slt, %select_n3A_730, %lt3A_736 : i32
        %ne3A_738 = arith.xori %lt3A_735, %lt3A_737 : i1
        %and3A_739 = arith.andi %ne3A_738, %ne3A_733 : i1
        %add3A_740 = arith.addi %rem3A_731, %select_n3A_730 : i32
        %select_n3A_741 = arith.select %and3A_739, %add3A_740, %rem3A_731 : i32
        %mul3A_742 = arith.constant 256 : i32
        %mul3A_743 = arith.muli %select_n3A_741, %mul3A_742 : i32
        %dma_start3A_744 = arith.constant 0 : i32
        %dma_start3A_745 = arith.constant 0 : i32
        %dma_start3A_746 = arith.constant 0 : i32
        %dma_start3A_747 = arith.constant 0 : i32
        %dma_start3A_748 = tpu.memref_slice %arg6[%dma_start3A_744, %dma_start3A_746, %dma_start3A_747] : memref<4x256x64xf32, #tpu.memory_space<vmem>> -> memref<1x256x64xf32, #tpu.memory_space<vmem>>
        %dma_start3A_749 = tpu.memref_squeeze %dma_start3A_748 : memref<1x256x64xf32, #tpu.memory_space<vmem>> -> memref<256x64xf32, #tpu.memory_space<vmem>>
        %dma_start3A_750 = tpu.memref_slice %arg5[%select_n3A_725, %mul3A_743] : memref<50x512xi32, #tpu.memory_space<vmem>> -> memref<1x256xi32, #tpu.memory_space<vmem>>
        %dma_start3A_751 = tpu.memref_squeeze %dma_start3A_750 : memref<1x256xi32, #tpu.memory_space<vmem>> -> memref<256xi32, #tpu.memory_space<vmem>>
        %dma_start3A_752 = arith.constant 0 : i32
        %dma_start3A_753 = arith.constant 0 : i32
        %dma_start3A_754 = tpu.memref_slice %arg3[%dma_start3A_752, %dma_start3A_753] : memref<1000000x64xf32, #tpu.memory_space<hbm>> -> memref<1000000x64xf32, #tpu.memory_space<hbm>>
        %dma_start3A_755 = tpu.memref_slice %arg7[%dma_start3A_745] : memref<4x!tpu.dma_semaphore, #tpu.memory_space<semaphore_mem>> -> memref<1x!tpu.dma_semaphore, #tpu.memory_space<semaphore_mem>>
        %dma_start3A_756 = tpu.memref_squeeze %dma_start3A_755 : memref<1x!tpu.dma_semaphore, #tpu.memory_space<semaphore_mem>> -> memref<!tpu.dma_semaphore, #tpu.memory_space<semaphore_mem>>
        tpu.enqueue_indirect_dma source(%dma_start3A_754 : memref<1000000x64xf32, #tpu.memory_space<hbm>>) target(%dma_start3A_749 : memref<256x64xf32, #tpu.memory_space<vmem>>) offsets(%dma_start3A_751 : memref<256xi32, #tpu.memory_space<vmem>>) semaphore(%dma_start3A_756 : memref<!tpu.dma_semaphore, #tpu.memory_space<semaphore_mem>>)
      } else {
      }
      %mul3A_264 = arith.constant 4 : i32
      %mul3A_265 = arith.muli %scan3A_150, %mul3A_264 : i32
      %add3A_266 = arith.constant 1 : i32
      %add3A_267 = arith.addi %mul3A_265, %add3A_266 : i32
      %jit3A_268 = arith.constant 2 : i32
      %div3A_269 = arith.divsi %add3A_267, %jit3A_268 : i32
      %sign3A_270 = arith.constant 0 : i32
      %sign3A_271 = arith.cmpi sgt, %add3A_267, %sign3A_270 : i32
      %sign3A_272 = arith.extui %sign3A_271 : i1 to i32
      %sign3A_273 = arith.constant 0 : i32
      %sign3A_274 = arith.cmpi slt, %add3A_267, %sign3A_273 : i32
      %sign3A_275 = arith.extui %sign3A_274 : i1 to i32
      %sign3A_276 = arith.subi %sign3A_272, %sign3A_275 : i32
      %sign3A_277 = arith.constant 0 : i32
      %sign3A_278 = arith.cmpi sgt, %jit3A_268, %sign3A_277 : i32
      %sign3A_279 = arith.extui %sign3A_278 : i1 to i32
      %sign3A_280 = arith.constant 0 : i32
      %sign3A_281 = arith.cmpi slt, %jit3A_268, %sign3A_280 : i32
      %sign3A_282 = arith.extui %sign3A_281 : i1 to i32
      %sign3A_283 = arith.subi %sign3A_279, %sign3A_282 : i32
      %ne3A_284 = arith.cmpi ne, %sign3A_276, %sign3A_283 : i32
      %rem3A_285 = arith.remsi %add3A_267, %jit3A_268 : i32
      %ne3A_286 = arith.constant 0 : i32
      %ne3A_287 = arith.cmpi ne, %rem3A_285, %ne3A_286 : i32
      %and3A_288 = arith.andi %ne3A_284, %ne3A_287 : i1
      %sub3A_289 = arith.constant 1 : i32
      %sub3A_290 = arith.subi %div3A_269, %sub3A_289 : i32
      %select_n3A_291 = arith.select %and3A_288, %sub3A_290, %div3A_269 : i32
      %jit3A_292 = arith.constant 2 : i32
      %eq3A_293 = arith.constant 0 : i32
      %eq3A_294 = arith.cmpi eq, %jit3A_292, %eq3A_293 : i32
      %jit3A_295 = arith.constant 1 : i32
      %select_n3A_296 = arith.select %eq3A_294, %jit3A_295, %jit3A_292 : i32
      %rem3A_297 = arith.remsi %add3A_267, %select_n3A_296 : i32
      %ne3A_298 = arith.constant 0 : i32
      %ne3A_299 = arith.cmpi ne, %rem3A_297, %ne3A_298 : i32
      %lt3A_300 = arith.constant 0 : i32
      %lt3A_301 = arith.cmpi slt, %rem3A_297, %lt3A_300 : i32
      %lt3A_302 = arith.constant 0 : i32
      %lt3A_303 = arith.cmpi slt, %select_n3A_296, %lt3A_302 : i32
      %ne3A_304 = arith.xori %lt3A_301, %lt3A_303 : i1
      %and3A_305 = arith.andi %ne3A_304, %ne3A_299 : i1
      %add3A_306 = arith.addi %rem3A_297, %select_n3A_296 : i32
      %select_n3A_307 = arith.select %and3A_305, %add3A_306, %rem3A_297 : i32
      %mul3A_308 = arith.constant 256 : i32
      %mul3A_309 = arith.muli %select_n3A_307, %mul3A_308 : i32
      %dma_wait3A_310 = arith.constant 1 : i32
      %dma_wait3A_311 = arith.constant 1 : i32
      %dma_wait3A_312 = arith.constant 0 : i32
      %dma_wait3A_313 = arith.constant 0 : i32
      %dma_wait3A_314 = tpu.memref_slice %arg6[%dma_wait3A_310, %dma_wait3A_312, %dma_wait3A_313] : memref<4x256x64xf32, #tpu.memory_space<vmem>> -> memref<1x256x64xf32, #tpu.memory_space<vmem>>
      %dma_wait3A_315 = tpu.memref_squeeze %dma_wait3A_314 : memref<1x256x64xf32, #tpu.memory_space<vmem>> -> memref<256x64xf32, #tpu.memory_space<vmem>>
      %dma_wait3A_316 = tpu.memref_slice %arg5[%select_n3A_291, %mul3A_309] : memref<50x512xi32, #tpu.memory_space<vmem>> -> memref<1x256xi32, #tpu.memory_space<vmem>>
      %dma_wait3A_317 = tpu.memref_squeeze %dma_wait3A_316 : memref<1x256xi32, #tpu.memory_space<vmem>> -> memref<256xi32, #tpu.memory_space<vmem>>
      %dma_wait3A_318 = arith.constant 0 : i32
      %dma_wait3A_319 = arith.constant 0 : i32
      %dma_wait3A_320 = tpu.memref_slice %arg3[%dma_wait3A_318, %dma_wait3A_319] : memref<1000000x64xf32, #tpu.memory_space<hbm>> -> memref<1000000x64xf32, #tpu.memory_space<hbm>>
      %dma_wait3A_321 = tpu.memref_slice %arg7[%dma_wait3A_311] : memref<4x!tpu.dma_semaphore, #tpu.memory_space<semaphore_mem>> -> memref<1x!tpu.dma_semaphore, #tpu.memory_space<semaphore_mem>>
      %dma_wait3A_322 = tpu.memref_squeeze %dma_wait3A_321 : memref<1x!tpu.dma_semaphore, #tpu.memory_space<semaphore_mem>> -> memref<!tpu.dma_semaphore, #tpu.memory_space<semaphore_mem>>
      tpu.wait_indirect_dma semaphore(%dma_wait3A_322 : memref<!tpu.dma_semaphore, #tpu.memory_space<semaphore_mem>>) src(%dma_wait3A_320 : memref<1000000x64xf32, #tpu.memory_space<hbm>>) dst(%dma_wait3A_315 : memref<256x64xf32, #tpu.memory_space<vmem>>)
      %jit3A_323 = arith.constant 2 : i32
      %div3A_324 = arith.divsi %add3A_267, %jit3A_323 : i32
      %sign3A_325 = arith.constant 0 : i32
      %sign3A_326 = arith.cmpi sgt, %add3A_267, %sign3A_325 : i32
      %sign3A_327 = arith.extui %sign3A_326 : i1 to i32
      %sign3A_328 = arith.constant 0 : i32
      %sign3A_329 = arith.cmpi slt, %add3A_267, %sign3A_328 : i32
      %sign3A_330 = arith.extui %sign3A_329 : i1 to i32
      %sign3A_331 = arith.subi %sign3A_327, %sign3A_330 : i32
      %sign3A_332 = arith.constant 0 : i32
      %sign3A_333 = arith.cmpi sgt, %jit3A_323, %sign3A_332 : i32
      %sign3A_334 = arith.extui %sign3A_333 : i1 to i32
      %sign3A_335 = arith.constant 0 : i32
      %sign3A_336 = arith.cmpi slt, %jit3A_323, %sign3A_335 : i32
      %sign3A_337 = arith.extui %sign3A_336 : i1 to i32
      %sign3A_338 = arith.subi %sign3A_334, %sign3A_337 : i32
      %ne3A_339 = arith.cmpi ne, %sign3A_331, %sign3A_338 : i32
      %rem3A_340 = arith.remsi %add3A_267, %jit3A_323 : i32
      %ne3A_341 = arith.constant 0 : i32
      %ne3A_342 = arith.cmpi ne, %rem3A_340, %ne3A_341 : i32
      %and3A_343 = arith.andi %ne3A_339, %ne3A_342 : i1
      %sub3A_344 = arith.constant 1 : i32
      %sub3A_345 = arith.subi %div3A_324, %sub3A_344 : i32
      %select_n3A_346 = arith.select %and3A_343, %sub3A_345, %div3A_324 : i32
      %jit3A_347 = arith.constant 2 : i32
      %eq3A_348 = arith.constant 0 : i32
      %eq3A_349 = arith.cmpi eq, %jit3A_347, %eq3A_348 : i32
      %jit3A_350 = arith.constant 1 : i32
      %select_n3A_351 = arith.select %eq3A_349, %jit3A_350, %jit3A_347 : i32
      %rem3A_352 = arith.remsi %add3A_267, %select_n3A_351 : i32
      %ne3A_353 = arith.constant 0 : i32
      %ne3A_354 = arith.cmpi ne, %rem3A_352, %ne3A_353 : i32
      %lt3A_355 = arith.constant 0 : i32
      %lt3A_356 = arith.cmpi slt, %rem3A_352, %lt3A_355 : i32
      %lt3A_357 = arith.constant 0 : i32
      %lt3A_358 = arith.cmpi slt, %select_n3A_351, %lt3A_357 : i32
      %ne3A_359 = arith.xori %lt3A_356, %lt3A_358 : i1
      %and3A_360 = arith.andi %ne3A_359, %ne3A_354 : i1
      %add3A_361 = arith.addi %rem3A_352, %select_n3A_351 : i32
      %select_n3A_362 = arith.select %and3A_360, %add3A_361, %rem3A_352 : i32
      %mul3A_363 = arith.constant 256 : i32
      %mul3A_364 = arith.muli %select_n3A_362, %mul3A_363 : i32
      %add3A_365 = arith.addi %mul3A_2, %mul3A_364 : i32
      %dma_start3A_366 = arith.constant 1 : i32
      %dma_start3A_367 = arith.constant 1 : i32
      %dma_start3A_368 = arith.constant 0 : i32
      %dma_start3A_369 = arith.constant 0 : i32
      %dma_start3A_370 = tpu.memref_slice %arg6[%dma_start3A_366, %dma_start3A_368, %dma_start3A_369] : memref<4x256x64xf32, #tpu.memory_space<vmem>> -> memref<1x256x64xf32, #tpu.memory_space<vmem>>
      %dma_start3A_371 = tpu.memref_squeeze %dma_start3A_370 : memref<1x256x64xf32, #tpu.memory_space<vmem>> -> memref<256x64xf32, #tpu.memory_space<vmem>>
      %dma_start3A_372 = arith.constant 0 : i32
      %dma_start3A_373 = tpu.memref_slice %arg4[%add3A_365, %select_n3A_346, %dma_start3A_372] : memref<16384x50x64xf32, #tpu.memory_space<hbm>> -> memref<256x1x64xf32, #tpu.memory_space<hbm>>
      %dma_start3A_374 = tpu.memref_squeeze %dma_start3A_373 : memref<256x1x64xf32, #tpu.memory_space<hbm>> -> memref<256x64xf32, #tpu.memory_space<hbm>>
      %dma_start3A_375 = tpu.memref_slice %arg8[%dma_start3A_367] : memref<4x!tpu.dma_semaphore, #tpu.memory_space<semaphore_mem>> -> memref<1x!tpu.dma_semaphore, #tpu.memory_space<semaphore_mem>>
      %dma_start3A_376 = tpu.memref_squeeze %dma_start3A_375 : memref<1x!tpu.dma_semaphore, #tpu.memory_space<semaphore_mem>> -> memref<!tpu.dma_semaphore, #tpu.memory_space<semaphore_mem>>
      %dma_start3A_377 = arith.constant 0 : i32
      %dma_start3A_378 = tpu.memref_slice %arg4[%add3A_365, %select_n3A_346, %dma_start3A_377] : memref<16384x50x64xf32, #tpu.memory_space<hbm>> -> memref<256x1x64xf32, #tpu.memory_space<hbm>>
      %dma_start3A_379 = tpu.memref_squeeze %dma_start3A_378 : memref<256x1x64xf32, #tpu.memory_space<hbm>> -> memref<256x64xf32, #tpu.memory_space<hbm>>
      %dma_start3A_380 = arith.constant 0 : i32
      %dma_start3A_381 = arith.constant 0 : i32
      %dma_start3A_382 = tpu.memref_slice %arg6[%dma_start3A_366, %dma_start3A_380, %dma_start3A_381] : memref<4x256x64xf32, #tpu.memory_space<vmem>> -> memref<1x256x64xf32, #tpu.memory_space<vmem>>
      %dma_start3A_383 = tpu.memref_squeeze %dma_start3A_382 : memref<1x256x64xf32, #tpu.memory_space<vmem>> -> memref<256x64xf32, #tpu.memory_space<vmem>>
      tpu.enqueue_dma source(%dma_start3A_383 : memref<256x64xf32, #tpu.memory_space<vmem>>) target(%dma_start3A_379 : memref<256x64xf32, #tpu.memory_space<hbm>>) target_semaphore(%dma_start3A_376 : memref<!tpu.dma_semaphore, #tpu.memory_space<semaphore_mem>>)
      %lt3A_384 = arith.constant 24 : i32
      %lt3A_385 = arith.cmpi slt, %scan3A_150, %lt3A_384 : i32
      %convert_element_type3A_386 = arith.extui %lt3A_385 : i1 to i32
      %cond3A_387 = arith.constant 0 : i32
      %cond3A_388 = arith.cmpi ne, %convert_element_type3A_386, %cond3A_387 : i32
      scf.if %cond3A_388 {
        %jit3A_639 = arith.constant 2 : i32
        %div3A_640 = arith.divsi %add3A_267, %jit3A_639 : i32
        %sign3A_641 = arith.constant 0 : i32
        %sign3A_642 = arith.cmpi sgt, %add3A_267, %sign3A_641 : i32
        %sign3A_643 = arith.extui %sign3A_642 : i1 to i32
        %sign3A_644 = arith.constant 0 : i32
        %sign3A_645 = arith.cmpi slt, %add3A_267, %sign3A_644 : i32
        %sign3A_646 = arith.extui %sign3A_645 : i1 to i32
        %sign3A_647 = arith.subi %sign3A_643, %sign3A_646 : i32
        %sign3A_648 = arith.constant 0 : i32
        %sign3A_649 = arith.cmpi sgt, %jit3A_639, %sign3A_648 : i32
        %sign3A_650 = arith.extui %sign3A_649 : i1 to i32
        %sign3A_651 = arith.constant 0 : i32
        %sign3A_652 = arith.cmpi slt, %jit3A_639, %sign3A_651 : i32
        %sign3A_653 = arith.extui %sign3A_652 : i1 to i32
        %sign3A_654 = arith.subi %sign3A_650, %sign3A_653 : i32
        %ne3A_655 = arith.cmpi ne, %sign3A_647, %sign3A_654 : i32
        %rem3A_656 = arith.remsi %add3A_267, %jit3A_639 : i32
        %ne3A_657 = arith.constant 0 : i32
        %ne3A_658 = arith.cmpi ne, %rem3A_656, %ne3A_657 : i32
        %and3A_659 = arith.andi %ne3A_655, %ne3A_658 : i1
        %sub3A_660 = arith.constant 1 : i32
        %sub3A_661 = arith.subi %div3A_640, %sub3A_660 : i32
        %select_n3A_662 = arith.select %and3A_659, %sub3A_661, %div3A_640 : i32
        %jit3A_663 = arith.constant 2 : i32
        %eq3A_664 = arith.constant 0 : i32
        %eq3A_665 = arith.cmpi eq, %jit3A_663, %eq3A_664 : i32
        %jit3A_666 = arith.constant 1 : i32
        %select_n3A_667 = arith.select %eq3A_665, %jit3A_666, %jit3A_663 : i32
        %rem3A_668 = arith.remsi %add3A_267, %select_n3A_667 : i32
        %ne3A_669 = arith.constant 0 : i32
        %ne3A_670 = arith.cmpi ne, %rem3A_668, %ne3A_669 : i32
        %lt3A_671 = arith.constant 0 : i32
        %lt3A_672 = arith.cmpi slt, %rem3A_668, %lt3A_671 : i32
        %lt3A_673 = arith.constant 0 : i32
        %lt3A_674 = arith.cmpi slt, %select_n3A_667, %lt3A_673 : i32
        %ne3A_675 = arith.xori %lt3A_672, %lt3A_674 : i1
        %and3A_676 = arith.andi %ne3A_675, %ne3A_670 : i1
        %add3A_677 = arith.addi %rem3A_668, %select_n3A_667 : i32
        %select_n3A_678 = arith.select %and3A_676, %add3A_677, %rem3A_668 : i32
        %mul3A_679 = arith.constant 256 : i32
        %mul3A_680 = arith.muli %select_n3A_678, %mul3A_679 : i32
        %add3A_681 = arith.addi %mul3A_2, %mul3A_680 : i32
        %dma_wait3A_682 = arith.constant 1 : i32
        %dma_wait3A_683 = arith.constant 1 : i32
        %dma_wait3A_684 = arith.constant 0 : i32
        %dma_wait3A_685 = arith.constant 0 : i32
        %dma_wait3A_686 = tpu.memref_slice %arg6[%dma_wait3A_682, %dma_wait3A_684, %dma_wait3A_685] : memref<4x256x64xf32, #tpu.memory_space<vmem>> -> memref<1x256x64xf32, #tpu.memory_space<vmem>>
        %dma_wait3A_687 = tpu.memref_squeeze %dma_wait3A_686 : memref<1x256x64xf32, #tpu.memory_space<vmem>> -> memref<256x64xf32, #tpu.memory_space<vmem>>
        %dma_wait3A_688 = arith.constant 0 : i32
        %dma_wait3A_689 = tpu.memref_slice %arg4[%add3A_681, %select_n3A_662, %dma_wait3A_688] : memref<16384x50x64xf32, #tpu.memory_space<hbm>> -> memref<256x1x64xf32, #tpu.memory_space<hbm>>
        %dma_wait3A_690 = tpu.memref_squeeze %dma_wait3A_689 : memref<256x1x64xf32, #tpu.memory_space<hbm>> -> memref<256x64xf32, #tpu.memory_space<hbm>>
        %dma_wait3A_691 = tpu.memref_slice %arg8[%dma_wait3A_683] : memref<4x!tpu.dma_semaphore, #tpu.memory_space<semaphore_mem>> -> memref<1x!tpu.dma_semaphore, #tpu.memory_space<semaphore_mem>>
        %dma_wait3A_692 = tpu.memref_squeeze %dma_wait3A_691 : memref<1x!tpu.dma_semaphore, #tpu.memory_space<semaphore_mem>> -> memref<!tpu.dma_semaphore, #tpu.memory_space<semaphore_mem>>
        %dma_wait3A_693 = arith.constant 0 : i32
        %dma_wait3A_694 = tpu.memref_slice %arg4[%add3A_681, %select_n3A_662, %dma_wait3A_693] : memref<16384x50x64xf32, #tpu.memory_space<hbm>> -> memref<256x1x64xf32, #tpu.memory_space<hbm>>
        %dma_wait3A_695 = tpu.memref_squeeze %dma_wait3A_694 : memref<256x1x64xf32, #tpu.memory_space<hbm>> -> memref<256x64xf32, #tpu.memory_space<hbm>>
        %dma_wait3A_696 = arith.constant 0 : i32
        %dma_wait3A_697 = arith.constant 0 : i32
        %dma_wait3A_698 = tpu.memref_slice %arg6[%dma_wait3A_682, %dma_wait3A_696, %dma_wait3A_697] : memref<4x256x64xf32, #tpu.memory_space<vmem>> -> memref<1x256x64xf32, #tpu.memory_space<vmem>>
        %dma_wait3A_699 = tpu.memref_squeeze %dma_wait3A_698 : memref<1x256x64xf32, #tpu.memory_space<vmem>> -> memref<256x64xf32, #tpu.memory_space<vmem>>
        tpu.wait_dma2 semaphore(%dma_wait3A_692 : memref<!tpu.dma_semaphore, #tpu.memory_space<semaphore_mem>>) src(%dma_wait3A_699 : memref<256x64xf32, #tpu.memory_space<vmem>>) dst(%dma_wait3A_695 : memref<256x64xf32, #tpu.memory_space<hbm>>)
        %add3A_700 = arith.constant 4 : i32
        %add3A_701 = arith.addi %add3A_267, %add3A_700 : i32
        %jit3A_702 = arith.constant 2 : i32
        %div3A_703 = arith.divsi %add3A_701, %jit3A_702 : i32
        %sign3A_704 = arith.constant 0 : i32
        %sign3A_705 = arith.cmpi sgt, %add3A_701, %sign3A_704 : i32
        %sign3A_706 = arith.extui %sign3A_705 : i1 to i32
        %sign3A_707 = arith.constant 0 : i32
        %sign3A_708 = arith.cmpi slt, %add3A_701, %sign3A_707 : i32
        %sign3A_709 = arith.extui %sign3A_708 : i1 to i32
        %sign3A_710 = arith.subi %sign3A_706, %sign3A_709 : i32
        %sign3A_711 = arith.constant 0 : i32
        %sign3A_712 = arith.cmpi sgt, %jit3A_702, %sign3A_711 : i32
        %sign3A_713 = arith.extui %sign3A_712 : i1 to i32
        %sign3A_714 = arith.constant 0 : i32
        %sign3A_715 = arith.cmpi slt, %jit3A_702, %sign3A_714 : i32
        %sign3A_716 = arith.extui %sign3A_715 : i1 to i32
        %sign3A_717 = arith.subi %sign3A_713, %sign3A_716 : i32
        %ne3A_718 = arith.cmpi ne, %sign3A_710, %sign3A_717 : i32
        %rem3A_719 = arith.remsi %add3A_701, %jit3A_702 : i32
        %ne3A_720 = arith.constant 0 : i32
        %ne3A_721 = arith.cmpi ne, %rem3A_719, %ne3A_720 : i32
        %and3A_722 = arith.andi %ne3A_718, %ne3A_721 : i1
        %sub3A_723 = arith.constant 1 : i32
        %sub3A_724 = arith.subi %div3A_703, %sub3A_723 : i32
        %select_n3A_725 = arith.select %and3A_722, %sub3A_724, %div3A_703 : i32
        %jit3A_726 = arith.constant 2 : i32
        %eq3A_727 = arith.constant 0 : i32
        %eq3A_728 = arith.cmpi eq, %jit3A_726, %eq3A_727 : i32
        %jit3A_729 = arith.constant 1 : i32
        %select_n3A_730 = arith.select %eq3A_728, %jit3A_729, %jit3A_726 : i32
        %rem3A_731 = arith.remsi %add3A_701, %select_n3A_730 : i32
        %ne3A_732 = arith.constant 0 : i32
        %ne3A_733 = arith.cmpi ne, %rem3A_731, %ne3A_732 : i32
        %lt3A_734 = arith.constant 0 : i32
        %lt3A_735 = arith.cmpi slt, %rem3A_731, %lt3A_734 : i32
        %lt3A_736 = arith.constant 0 : i32
        %lt3A_737 = arith.cmpi slt, %select_n3A_730, %lt3A_736 : i32
        %ne3A_738 = arith.xori %lt3A_735, %lt3A_737 : i1
        %and3A_739 = arith.andi %ne3A_738, %ne3A_733 : i1
        %add3A_740 = arith.addi %rem3A_731, %select_n3A_730 : i32
        %select_n3A_741 = arith.select %and3A_739, %add3A_740, %rem3A_731 : i32
        %mul3A_742 = arith.constant 256 : i32
        %mul3A_743 = arith.muli %select_n3A_741, %mul3A_742 : i32
        %dma_start3A_744 = arith.constant 1 : i32
        %dma_start3A_745 = arith.constant 1 : i32
        %dma_start3A_746 = arith.constant 0 : i32
        %dma_start3A_747 = arith.constant 0 : i32
        %dma_start3A_748 = tpu.memref_slice %arg6[%dma_start3A_744, %dma_start3A_746, %dma_start3A_747] : memref<4x256x64xf32, #tpu.memory_space<vmem>> -> memref<1x256x64xf32, #tpu.memory_space<vmem>>
        %dma_start3A_749 = tpu.memref_squeeze %dma_start3A_748 : memref<1x256x64xf32, #tpu.memory_space<vmem>> -> memref<256x64xf32, #tpu.memory_space<vmem>>
        %dma_start3A_750 = tpu.memref_slice %arg5[%select_n3A_725, %mul3A_743] : memref<50x512xi32, #tpu.memory_space<vmem>> -> memref<1x256xi32, #tpu.memory_space<vmem>>
        %dma_start3A_751 = tpu.memref_squeeze %dma_start3A_750 : memref<1x256xi32, #tpu.memory_space<vmem>> -> memref<256xi32, #tpu.memory_space<vmem>>
        %dma_start3A_752 = arith.constant 0 : i32
        %dma_start3A_753 = arith.constant 0 : i32
        %dma_start3A_754 = tpu.memref_slice %arg3[%dma_start3A_752, %dma_start3A_753] : memref<1000000x64xf32, #tpu.memory_space<hbm>> -> memref<1000000x64xf32, #tpu.memory_space<hbm>>
        %dma_start3A_755 = tpu.memref_slice %arg7[%dma_start3A_745] : memref<4x!tpu.dma_semaphore, #tpu.memory_space<semaphore_mem>> -> memref<1x!tpu.dma_semaphore, #tpu.memory_space<semaphore_mem>>
        %dma_start3A_756 = tpu.memref_squeeze %dma_start3A_755 : memref<1x!tpu.dma_semaphore, #tpu.memory_space<semaphore_mem>> -> memref<!tpu.dma_semaphore, #tpu.memory_space<semaphore_mem>>
        tpu.enqueue_indirect_dma source(%dma_start3A_754 : memref<1000000x64xf32, #tpu.memory_space<hbm>>) target(%dma_start3A_749 : memref<256x64xf32, #tpu.memory_space<vmem>>) offsets(%dma_start3A_751 : memref<256xi32, #tpu.memory_space<vmem>>) semaphore(%dma_start3A_756 : memref<!tpu.dma_semaphore, #tpu.memory_space<semaphore_mem>>)
      } else {
      }
      %mul3A_389 = arith.constant 4 : i32
      %mul3A_390 = arith.muli %scan3A_150, %mul3A_389 : i32
      %add3A_391 = arith.constant 2 : i32
      %add3A_392 = arith.addi %mul3A_390, %add3A_391 : i32
      %jit3A_393 = arith.constant 2 : i32
      %div3A_394 = arith.divsi %add3A_392, %jit3A_393 : i32
      %sign3A_395 = arith.constant 0 : i32
      %sign3A_396 = arith.cmpi sgt, %add3A_392, %sign3A_395 : i32
      %sign3A_397 = arith.extui %sign3A_396 : i1 to i32
      %sign3A_398 = arith.constant 0 : i32
      %sign3A_399 = arith.cmpi slt, %add3A_392, %sign3A_398 : i32
      %sign3A_400 = arith.extui %sign3A_399 : i1 to i32
      %sign3A_401 = arith.subi %sign3A_397, %sign3A_400 : i32
      %sign3A_402 = arith.constant 0 : i32
      %sign3A_403 = arith.cmpi sgt, %jit3A_393, %sign3A_402 : i32
      %sign3A_404 = arith.extui %sign3A_403 : i1 to i32
      %sign3A_405 = arith.constant 0 : i32
      %sign3A_406 = arith.cmpi slt, %jit3A_393, %sign3A_405 : i32
      %sign3A_407 = arith.extui %sign3A_406 : i1 to i32
      %sign3A_408 = arith.subi %sign3A_404, %sign3A_407 : i32
      %ne3A_409 = arith.cmpi ne, %sign3A_401, %sign3A_408 : i32
      %rem3A_410 = arith.remsi %add3A_392, %jit3A_393 : i32
      %ne3A_411 = arith.constant 0 : i32
      %ne3A_412 = arith.cmpi ne, %rem3A_410, %ne3A_411 : i32
      %and3A_413 = arith.andi %ne3A_409, %ne3A_412 : i1
      %sub3A_414 = arith.constant 1 : i32
      %sub3A_415 = arith.subi %div3A_394, %sub3A_414 : i32
      %select_n3A_416 = arith.select %and3A_413, %sub3A_415, %div3A_394 : i32
      %jit3A_417 = arith.constant 2 : i32
      %eq3A_418 = arith.constant 0 : i32
      %eq3A_419 = arith.cmpi eq, %jit3A_417, %eq3A_418 : i32
      %jit3A_420 = arith.constant 1 : i32
      %select_n3A_421 = arith.select %eq3A_419, %jit3A_420, %jit3A_417 : i32
      %rem3A_422 = arith.remsi %add3A_392, %select_n3A_421 : i32
      %ne3A_423 = arith.constant 0 : i32
      %ne3A_424 = arith.cmpi ne, %rem3A_422, %ne3A_423 : i32
      %lt3A_425 = arith.constant 0 : i32
      %lt3A_426 = arith.cmpi slt, %rem3A_422, %lt3A_425 : i32
      %lt3A_427 = arith.constant 0 : i32
      %lt3A_428 = arith.cmpi slt, %select_n3A_421, %lt3A_427 : i32
      %ne3A_429 = arith.xori %lt3A_426, %lt3A_428 : i1
      %and3A_430 = arith.andi %ne3A_429, %ne3A_424 : i1
      %add3A_431 = arith.addi %rem3A_422, %select_n3A_421 : i32
      %select_n3A_432 = arith.select %and3A_430, %add3A_431, %rem3A_422 : i32
      %mul3A_433 = arith.constant 256 : i32
      %mul3A_434 = arith.muli %select_n3A_432, %mul3A_433 : i32
      %dma_wait3A_435 = arith.constant 2 : i32
      %dma_wait3A_436 = arith.constant 2 : i32
      %dma_wait3A_437 = arith.constant 0 : i32
      %dma_wait3A_438 = arith.constant 0 : i32
      %dma_wait3A_439 = tpu.memref_slice %arg6[%dma_wait3A_435, %dma_wait3A_437, %dma_wait3A_438] : memref<4x256x64xf32, #tpu.memory_space<vmem>> -> memref<1x256x64xf32, #tpu.memory_space<vmem>>
      %dma_wait3A_440 = tpu.memref_squeeze %dma_wait3A_439 : memref<1x256x64xf32, #tpu.memory_space<vmem>> -> memref<256x64xf32, #tpu.memory_space<vmem>>
      %dma_wait3A_441 = tpu.memref_slice %arg5[%select_n3A_416, %mul3A_434] : memref<50x512xi32, #tpu.memory_space<vmem>> -> memref<1x256xi32, #tpu.memory_space<vmem>>
      %dma_wait3A_442 = tpu.memref_squeeze %dma_wait3A_441 : memref<1x256xi32, #tpu.memory_space<vmem>> -> memref<256xi32, #tpu.memory_space<vmem>>
      %dma_wait3A_443 = arith.constant 0 : i32
      %dma_wait3A_444 = arith.constant 0 : i32
      %dma_wait3A_445 = tpu.memref_slice %arg3[%dma_wait3A_443, %dma_wait3A_444] : memref<1000000x64xf32, #tpu.memory_space<hbm>> -> memref<1000000x64xf32, #tpu.memory_space<hbm>>
      %dma_wait3A_446 = tpu.memref_slice %arg7[%dma_wait3A_436] : memref<4x!tpu.dma_semaphore, #tpu.memory_space<semaphore_mem>> -> memref<1x!tpu.dma_semaphore, #tpu.memory_space<semaphore_mem>>
      %dma_wait3A_447 = tpu.memref_squeeze %dma_wait3A_446 : memref<1x!tpu.dma_semaphore, #tpu.memory_space<semaphore_mem>> -> memref<!tpu.dma_semaphore, #tpu.memory_space<semaphore_mem>>
      tpu.wait_indirect_dma semaphore(%dma_wait3A_447 : memref<!tpu.dma_semaphore, #tpu.memory_space<semaphore_mem>>) src(%dma_wait3A_445 : memref<1000000x64xf32, #tpu.memory_space<hbm>>) dst(%dma_wait3A_440 : memref<256x64xf32, #tpu.memory_space<vmem>>)
      %jit3A_448 = arith.constant 2 : i32
      %div3A_449 = arith.divsi %add3A_392, %jit3A_448 : i32
      %sign3A_450 = arith.constant 0 : i32
      %sign3A_451 = arith.cmpi sgt, %add3A_392, %sign3A_450 : i32
      %sign3A_452 = arith.extui %sign3A_451 : i1 to i32
      %sign3A_453 = arith.constant 0 : i32
      %sign3A_454 = arith.cmpi slt, %add3A_392, %sign3A_453 : i32
      %sign3A_455 = arith.extui %sign3A_454 : i1 to i32
      %sign3A_456 = arith.subi %sign3A_452, %sign3A_455 : i32
      %sign3A_457 = arith.constant 0 : i32
      %sign3A_458 = arith.cmpi sgt, %jit3A_448, %sign3A_457 : i32
      %sign3A_459 = arith.extui %sign3A_458 : i1 to i32
      %sign3A_460 = arith.constant 0 : i32
      %sign3A_461 = arith.cmpi slt, %jit3A_448, %sign3A_460 : i32
      %sign3A_462 = arith.extui %sign3A_461 : i1 to i32
      %sign3A_463 = arith.subi %sign3A_459, %sign3A_462 : i32
      %ne3A_464 = arith.cmpi ne, %sign3A_456, %sign3A_463 : i32
      %rem3A_465 = arith.remsi %add3A_392, %jit3A_448 : i32
      %ne3A_466 = arith.constant 0 : i32
      %ne3A_467 = arith.cmpi ne, %rem3A_465, %ne3A_466 : i32
      %and3A_468 = arith.andi %ne3A_464, %ne3A_467 : i1
      %sub3A_469 = arith.constant 1 : i32
      %sub3A_470 = arith.subi %div3A_449, %sub3A_469 : i32
      %select_n3A_471 = arith.select %and3A_468, %sub3A_470, %div3A_449 : i32
      %jit3A_472 = arith.constant 2 : i32
      %eq3A_473 = arith.constant 0 : i32
      %eq3A_474 = arith.cmpi eq, %jit3A_472, %eq3A_473 : i32
      %jit3A_475 = arith.constant 1 : i32
      %select_n3A_476 = arith.select %eq3A_474, %jit3A_475, %jit3A_472 : i32
      %rem3A_477 = arith.remsi %add3A_392, %select_n3A_476 : i32
      %ne3A_478 = arith.constant 0 : i32
      %ne3A_479 = arith.cmpi ne, %rem3A_477, %ne3A_478 : i32
      %lt3A_480 = arith.constant 0 : i32
      %lt3A_481 = arith.cmpi slt, %rem3A_477, %lt3A_480 : i32
      %lt3A_482 = arith.constant 0 : i32
      %lt3A_483 = arith.cmpi slt, %select_n3A_476, %lt3A_482 : i32
      %ne3A_484 = arith.xori %lt3A_481, %lt3A_483 : i1
      %and3A_485 = arith.andi %ne3A_484, %ne3A_479 : i1
      %add3A_486 = arith.addi %rem3A_477, %select_n3A_476 : i32
      %select_n3A_487 = arith.select %and3A_485, %add3A_486, %rem3A_477 : i32
      %mul3A_488 = arith.constant 256 : i32
      %mul3A_489 = arith.muli %select_n3A_487, %mul3A_488 : i32
      %add3A_490 = arith.addi %mul3A_2, %mul3A_489 : i32
      %dma_start3A_491 = arith.constant 2 : i32
      %dma_start3A_492 = arith.constant 2 : i32
      %dma_start3A_493 = arith.constant 0 : i32
      %dma_start3A_494 = arith.constant 0 : i32
      %dma_start3A_495 = tpu.memref_slice %arg6[%dma_start3A_491, %dma_start3A_493, %dma_start3A_494] : memref<4x256x64xf32, #tpu.memory_space<vmem>> -> memref<1x256x64xf32, #tpu.memory_space<vmem>>
      %dma_start3A_496 = tpu.memref_squeeze %dma_start3A_495 : memref<1x256x64xf32, #tpu.memory_space<vmem>> -> memref<256x64xf32, #tpu.memory_space<vmem>>
      %dma_start3A_497 = arith.constant 0 : i32
      %dma_start3A_498 = tpu.memref_slice %arg4[%add3A_490, %select_n3A_471, %dma_start3A_497] : memref<16384x50x64xf32, #tpu.memory_space<hbm>> -> memref<256x1x64xf32, #tpu.memory_space<hbm>>
      %dma_start3A_499 = tpu.memref_squeeze %dma_start3A_498 : memref<256x1x64xf32, #tpu.memory_space<hbm>> -> memref<256x64xf32, #tpu.memory_space<hbm>>
      %dma_start3A_500 = tpu.memref_slice %arg8[%dma_start3A_492] : memref<4x!tpu.dma_semaphore, #tpu.memory_space<semaphore_mem>> -> memref<1x!tpu.dma_semaphore, #tpu.memory_space<semaphore_mem>>
      %dma_start3A_501 = tpu.memref_squeeze %dma_start3A_500 : memref<1x!tpu.dma_semaphore, #tpu.memory_space<semaphore_mem>> -> memref<!tpu.dma_semaphore, #tpu.memory_space<semaphore_mem>>
      %dma_start3A_502 = arith.constant 0 : i32
      %dma_start3A_503 = tpu.memref_slice %arg4[%add3A_490, %select_n3A_471, %dma_start3A_502] : memref<16384x50x64xf32, #tpu.memory_space<hbm>> -> memref<256x1x64xf32, #tpu.memory_space<hbm>>
      %dma_start3A_504 = tpu.memref_squeeze %dma_start3A_503 : memref<256x1x64xf32, #tpu.memory_space<hbm>> -> memref<256x64xf32, #tpu.memory_space<hbm>>
      %dma_start3A_505 = arith.constant 0 : i32
      %dma_start3A_506 = arith.constant 0 : i32
      %dma_start3A_507 = tpu.memref_slice %arg6[%dma_start3A_491, %dma_start3A_505, %dma_start3A_506] : memref<4x256x64xf32, #tpu.memory_space<vmem>> -> memref<1x256x64xf32, #tpu.memory_space<vmem>>
      %dma_start3A_508 = tpu.memref_squeeze %dma_start3A_507 : memref<1x256x64xf32, #tpu.memory_space<vmem>> -> memref<256x64xf32, #tpu.memory_space<vmem>>
      tpu.enqueue_dma source(%dma_start3A_508 : memref<256x64xf32, #tpu.memory_space<vmem>>) target(%dma_start3A_504 : memref<256x64xf32, #tpu.memory_space<hbm>>) target_semaphore(%dma_start3A_501 : memref<!tpu.dma_semaphore, #tpu.memory_space<semaphore_mem>>)
      %lt3A_509 = arith.constant 24 : i32
      %lt3A_510 = arith.cmpi slt, %scan3A_150, %lt3A_509 : i32
      %convert_element_type3A_511 = arith.extui %lt3A_510 : i1 to i32
      %cond3A_512 = arith.constant 0 : i32
      %cond3A_513 = arith.cmpi ne, %convert_element_type3A_511, %cond3A_512 : i32
      scf.if %cond3A_513 {
        %jit3A_639 = arith.constant 2 : i32
        %div3A_640 = arith.divsi %add3A_392, %jit3A_639 : i32
        %sign3A_641 = arith.constant 0 : i32
        %sign3A_642 = arith.cmpi sgt, %add3A_392, %sign3A_641 : i32
        %sign3A_643 = arith.extui %sign3A_642 : i1 to i32
        %sign3A_644 = arith.constant 0 : i32
        %sign3A_645 = arith.cmpi slt, %add3A_392, %sign3A_644 : i32
        %sign3A_646 = arith.extui %sign3A_645 : i1 to i32
        %sign3A_647 = arith.subi %sign3A_643, %sign3A_646 : i32
        %sign3A_648 = arith.constant 0 : i32
        %sign3A_649 = arith.cmpi sgt, %jit3A_639, %sign3A_648 : i32
        %sign3A_650 = arith.extui %sign3A_649 : i1 to i32
        %sign3A_651 = arith.constant 0 : i32
        %sign3A_652 = arith.cmpi slt, %jit3A_639, %sign3A_651 : i32
        %sign3A_653 = arith.extui %sign3A_652 : i1 to i32
        %sign3A_654 = arith.subi %sign3A_650, %sign3A_653 : i32
        %ne3A_655 = arith.cmpi ne, %sign3A_647, %sign3A_654 : i32
        %rem3A_656 = arith.remsi %add3A_392, %jit3A_639 : i32
        %ne3A_657 = arith.constant 0 : i32
        %ne3A_658 = arith.cmpi ne, %rem3A_656, %ne3A_657 : i32
        %and3A_659 = arith.andi %ne3A_655, %ne3A_658 : i1
        %sub3A_660 = arith.constant 1 : i32
        %sub3A_661 = arith.subi %div3A_640, %sub3A_660 : i32
        %select_n3A_662 = arith.select %and3A_659, %sub3A_661, %div3A_640 : i32
        %jit3A_663 = arith.constant 2 : i32
        %eq3A_664 = arith.constant 0 : i32
        %eq3A_665 = arith.cmpi eq, %jit3A_663, %eq3A_664 : i32
        %jit3A_666 = arith.constant 1 : i32
        %select_n3A_667 = arith.select %eq3A_665, %jit3A_666, %jit3A_663 : i32
        %rem3A_668 = arith.remsi %add3A_392, %select_n3A_667 : i32
        %ne3A_669 = arith.constant 0 : i32
        %ne3A_670 = arith.cmpi ne, %rem3A_668, %ne3A_669 : i32
        %lt3A_671 = arith.constant 0 : i32
        %lt3A_672 = arith.cmpi slt, %rem3A_668, %lt3A_671 : i32
        %lt3A_673 = arith.constant 0 : i32
        %lt3A_674 = arith.cmpi slt, %select_n3A_667, %lt3A_673 : i32
        %ne3A_675 = arith.xori %lt3A_672, %lt3A_674 : i1
        %and3A_676 = arith.andi %ne3A_675, %ne3A_670 : i1
        %add3A_677 = arith.addi %rem3A_668, %select_n3A_667 : i32
        %select_n3A_678 = arith.select %and3A_676, %add3A_677, %rem3A_668 : i32
        %mul3A_679 = arith.constant 256 : i32
        %mul3A_680 = arith.muli %select_n3A_678, %mul3A_679 : i32
        %add3A_681 = arith.addi %mul3A_2, %mul3A_680 : i32
        %dma_wait3A_682 = arith.constant 2 : i32
        %dma_wait3A_683 = arith.constant 2 : i32
        %dma_wait3A_684 = arith.constant 0 : i32
        %dma_wait3A_685 = arith.constant 0 : i32
        %dma_wait3A_686 = tpu.memref_slice %arg6[%dma_wait3A_682, %dma_wait3A_684, %dma_wait3A_685] : memref<4x256x64xf32, #tpu.memory_space<vmem>> -> memref<1x256x64xf32, #tpu.memory_space<vmem>>
        %dma_wait3A_687 = tpu.memref_squeeze %dma_wait3A_686 : memref<1x256x64xf32, #tpu.memory_space<vmem>> -> memref<256x64xf32, #tpu.memory_space<vmem>>
        %dma_wait3A_688 = arith.constant 0 : i32
        %dma_wait3A_689 = tpu.memref_slice %arg4[%add3A_681, %select_n3A_662, %dma_wait3A_688] : memref<16384x50x64xf32, #tpu.memory_space<hbm>> -> memref<256x1x64xf32, #tpu.memory_space<hbm>>
        %dma_wait3A_690 = tpu.memref_squeeze %dma_wait3A_689 : memref<256x1x64xf32, #tpu.memory_space<hbm>> -> memref<256x64xf32, #tpu.memory_space<hbm>>
        %dma_wait3A_691 = tpu.memref_slice %arg8[%dma_wait3A_683] : memref<4x!tpu.dma_semaphore, #tpu.memory_space<semaphore_mem>> -> memref<1x!tpu.dma_semaphore, #tpu.memory_space<semaphore_mem>>
        %dma_wait3A_692 = tpu.memref_squeeze %dma_wait3A_691 : memref<1x!tpu.dma_semaphore, #tpu.memory_space<semaphore_mem>> -> memref<!tpu.dma_semaphore, #tpu.memory_space<semaphore_mem>>
        %dma_wait3A_693 = arith.constant 0 : i32
        %dma_wait3A_694 = tpu.memref_slice %arg4[%add3A_681, %select_n3A_662, %dma_wait3A_693] : memref<16384x50x64xf32, #tpu.memory_space<hbm>> -> memref<256x1x64xf32, #tpu.memory_space<hbm>>
        %dma_wait3A_695 = tpu.memref_squeeze %dma_wait3A_694 : memref<256x1x64xf32, #tpu.memory_space<hbm>> -> memref<256x64xf32, #tpu.memory_space<hbm>>
        %dma_wait3A_696 = arith.constant 0 : i32
        %dma_wait3A_697 = arith.constant 0 : i32
        %dma_wait3A_698 = tpu.memref_slice %arg6[%dma_wait3A_682, %dma_wait3A_696, %dma_wait3A_697] : memref<4x256x64xf32, #tpu.memory_space<vmem>> -> memref<1x256x64xf32, #tpu.memory_space<vmem>>
        %dma_wait3A_699 = tpu.memref_squeeze %dma_wait3A_698 : memref<1x256x64xf32, #tpu.memory_space<vmem>> -> memref<256x64xf32, #tpu.memory_space<vmem>>
        tpu.wait_dma2 semaphore(%dma_wait3A_692 : memref<!tpu.dma_semaphore, #tpu.memory_space<semaphore_mem>>) src(%dma_wait3A_699 : memref<256x64xf32, #tpu.memory_space<vmem>>) dst(%dma_wait3A_695 : memref<256x64xf32, #tpu.memory_space<hbm>>)
        %add3A_700 = arith.constant 4 : i32
        %add3A_701 = arith.addi %add3A_392, %add3A_700 : i32
        %jit3A_702 = arith.constant 2 : i32
        %div3A_703 = arith.divsi %add3A_701, %jit3A_702 : i32
        %sign3A_704 = arith.constant 0 : i32
        %sign3A_705 = arith.cmpi sgt, %add3A_701, %sign3A_704 : i32
        %sign3A_706 = arith.extui %sign3A_705 : i1 to i32
        %sign3A_707 = arith.constant 0 : i32
        %sign3A_708 = arith.cmpi slt, %add3A_701, %sign3A_707 : i32
        %sign3A_709 = arith.extui %sign3A_708 : i1 to i32
        %sign3A_710 = arith.subi %sign3A_706, %sign3A_709 : i32
        %sign3A_711 = arith.constant 0 : i32
        %sign3A_712 = arith.cmpi sgt, %jit3A_702, %sign3A_711 : i32
        %sign3A_713 = arith.extui %sign3A_712 : i1 to i32
        %sign3A_714 = arith.constant 0 : i32
        %sign3A_715 = arith.cmpi slt, %jit3A_702, %sign3A_714 : i32
        %sign3A_716 = arith.extui %sign3A_715 : i1 to i32
        %sign3A_717 = arith.subi %sign3A_713, %sign3A_716 : i32
        %ne3A_718 = arith.cmpi ne, %sign3A_710, %sign3A_717 : i32
        %rem3A_719 = arith.remsi %add3A_701, %jit3A_702 : i32
        %ne3A_720 = arith.constant 0 : i32
        %ne3A_721 = arith.cmpi ne, %rem3A_719, %ne3A_720 : i32
        %and3A_722 = arith.andi %ne3A_718, %ne3A_721 : i1
        %sub3A_723 = arith.constant 1 : i32
        %sub3A_724 = arith.subi %div3A_703, %sub3A_723 : i32
        %select_n3A_725 = arith.select %and3A_722, %sub3A_724, %div3A_703 : i32
        %jit3A_726 = arith.constant 2 : i32
        %eq3A_727 = arith.constant 0 : i32
        %eq3A_728 = arith.cmpi eq, %jit3A_726, %eq3A_727 : i32
        %jit3A_729 = arith.constant 1 : i32
        %select_n3A_730 = arith.select %eq3A_728, %jit3A_729, %jit3A_726 : i32
        %rem3A_731 = arith.remsi %add3A_701, %select_n3A_730 : i32
        %ne3A_732 = arith.constant 0 : i32
        %ne3A_733 = arith.cmpi ne, %rem3A_731, %ne3A_732 : i32
        %lt3A_734 = arith.constant 0 : i32
        %lt3A_735 = arith.cmpi slt, %rem3A_731, %lt3A_734 : i32
        %lt3A_736 = arith.constant 0 : i32
        %lt3A_737 = arith.cmpi slt, %select_n3A_730, %lt3A_736 : i32
        %ne3A_738 = arith.xori %lt3A_735, %lt3A_737 : i1
        %and3A_739 = arith.andi %ne3A_738, %ne3A_733 : i1
        %add3A_740 = arith.addi %rem3A_731, %select_n3A_730 : i32
        %select_n3A_741 = arith.select %and3A_739, %add3A_740, %rem3A_731 : i32
        %mul3A_742 = arith.constant 256 : i32
        %mul3A_743 = arith.muli %select_n3A_741, %mul3A_742 : i32
        %dma_start3A_744 = arith.constant 2 : i32
        %dma_start3A_745 = arith.constant 2 : i32
        %dma_start3A_746 = arith.constant 0 : i32
        %dma_start3A_747 = arith.constant 0 : i32
        %dma_start3A_748 = tpu.memref_slice %arg6[%dma_start3A_744, %dma_start3A_746, %dma_start3A_747] : memref<4x256x64xf32, #tpu.memory_space<vmem>> -> memref<1x256x64xf32, #tpu.memory_space<vmem>>
        %dma_start3A_749 = tpu.memref_squeeze %dma_start3A_748 : memref<1x256x64xf32, #tpu.memory_space<vmem>> -> memref<256x64xf32, #tpu.memory_space<vmem>>
        %dma_start3A_750 = tpu.memref_slice %arg5[%select_n3A_725, %mul3A_743] : memref<50x512xi32, #tpu.memory_space<vmem>> -> memref<1x256xi32, #tpu.memory_space<vmem>>
        %dma_start3A_751 = tpu.memref_squeeze %dma_start3A_750 : memref<1x256xi32, #tpu.memory_space<vmem>> -> memref<256xi32, #tpu.memory_space<vmem>>
        %dma_start3A_752 = arith.constant 0 : i32
        %dma_start3A_753 = arith.constant 0 : i32
        %dma_start3A_754 = tpu.memref_slice %arg3[%dma_start3A_752, %dma_start3A_753] : memref<1000000x64xf32, #tpu.memory_space<hbm>> -> memref<1000000x64xf32, #tpu.memory_space<hbm>>
        %dma_start3A_755 = tpu.memref_slice %arg7[%dma_start3A_745] : memref<4x!tpu.dma_semaphore, #tpu.memory_space<semaphore_mem>> -> memref<1x!tpu.dma_semaphore, #tpu.memory_space<semaphore_mem>>
        %dma_start3A_756 = tpu.memref_squeeze %dma_start3A_755 : memref<1x!tpu.dma_semaphore, #tpu.memory_space<semaphore_mem>> -> memref<!tpu.dma_semaphore, #tpu.memory_space<semaphore_mem>>
        tpu.enqueue_indirect_dma source(%dma_start3A_754 : memref<1000000x64xf32, #tpu.memory_space<hbm>>) target(%dma_start3A_749 : memref<256x64xf32, #tpu.memory_space<vmem>>) offsets(%dma_start3A_751 : memref<256xi32, #tpu.memory_space<vmem>>) semaphore(%dma_start3A_756 : memref<!tpu.dma_semaphore, #tpu.memory_space<semaphore_mem>>)
      } else {
      }
      %mul3A_514 = arith.constant 4 : i32
      %mul3A_515 = arith.muli %scan3A_150, %mul3A_514 : i32
      %add3A_516 = arith.constant 3 : i32
      %add3A_517 = arith.addi %mul3A_515, %add3A_516 : i32
      %jit3A_518 = arith.constant 2 : i32
      %div3A_519 = arith.divsi %add3A_517, %jit3A_518 : i32
      %sign3A_520 = arith.constant 0 : i32
      %sign3A_521 = arith.cmpi sgt, %add3A_517, %sign3A_520 : i32
      %sign3A_522 = arith.extui %sign3A_521 : i1 to i32
      %sign3A_523 = arith.constant 0 : i32
      %sign3A_524 = arith.cmpi slt, %add3A_517, %sign3A_523 : i32
      %sign3A_525 = arith.extui %sign3A_524 : i1 to i32
      %sign3A_526 = arith.subi %sign3A_522, %sign3A_525 : i32
      %sign3A_527 = arith.constant 0 : i32
      %sign3A_528 = arith.cmpi sgt, %jit3A_518, %sign3A_527 : i32
      %sign3A_529 = arith.extui %sign3A_528 : i1 to i32
      %sign3A_530 = arith.constant 0 : i32
      %sign3A_531 = arith.cmpi slt, %jit3A_518, %sign3A_530 : i32
      %sign3A_532 = arith.extui %sign3A_531 : i1 to i32
      %sign3A_533 = arith.subi %sign3A_529, %sign3A_532 : i32
      %ne3A_534 = arith.cmpi ne, %sign3A_526, %sign3A_533 : i32
      %rem3A_535 = arith.remsi %add3A_517, %jit3A_518 : i32
      %ne3A_536 = arith.constant 0 : i32
      %ne3A_537 = arith.cmpi ne, %rem3A_535, %ne3A_536 : i32
      %and3A_538 = arith.andi %ne3A_534, %ne3A_537 : i1
      %sub3A_539 = arith.constant 1 : i32
      %sub3A_540 = arith.subi %div3A_519, %sub3A_539 : i32
      %select_n3A_541 = arith.select %and3A_538, %sub3A_540, %div3A_519 : i32
      %jit3A_542 = arith.constant 2 : i32
      %eq3A_543 = arith.constant 0 : i32
      %eq3A_544 = arith.cmpi eq, %jit3A_542, %eq3A_543 : i32
      %jit3A_545 = arith.constant 1 : i32
      %select_n3A_546 = arith.select %eq3A_544, %jit3A_545, %jit3A_542 : i32
      %rem3A_547 = arith.remsi %add3A_517, %select_n3A_546 : i32
      %ne3A_548 = arith.constant 0 : i32
      %ne3A_549 = arith.cmpi ne, %rem3A_547, %ne3A_548 : i32
      %lt3A_550 = arith.constant 0 : i32
      %lt3A_551 = arith.cmpi slt, %rem3A_547, %lt3A_550 : i32
      %lt3A_552 = arith.constant 0 : i32
      %lt3A_553 = arith.cmpi slt, %select_n3A_546, %lt3A_552 : i32
      %ne3A_554 = arith.xori %lt3A_551, %lt3A_553 : i1
      %and3A_555 = arith.andi %ne3A_554, %ne3A_549 : i1
      %add3A_556 = arith.addi %rem3A_547, %select_n3A_546 : i32
      %select_n3A_557 = arith.select %and3A_555, %add3A_556, %rem3A_547 : i32
      %mul3A_558 = arith.constant 256 : i32
      %mul3A_559 = arith.muli %select_n3A_557, %mul3A_558 : i32
      %dma_wait3A_560 = arith.constant 3 : i32
      %dma_wait3A_561 = arith.constant 3 : i32
      %dma_wait3A_562 = arith.constant 0 : i32
      %dma_wait3A_563 = arith.constant 0 : i32
      %dma_wait3A_564 = tpu.memref_slice %arg6[%dma_wait3A_560, %dma_wait3A_562, %dma_wait3A_563] : memref<4x256x64xf32, #tpu.memory_space<vmem>> -> memref<1x256x64xf32, #tpu.memory_space<vmem>>
      %dma_wait3A_565 = tpu.memref_squeeze %dma_wait3A_564 : memref<1x256x64xf32, #tpu.memory_space<vmem>> -> memref<256x64xf32, #tpu.memory_space<vmem>>
      %dma_wait3A_566 = tpu.memref_slice %arg5[%select_n3A_541, %mul3A_559] : memref<50x512xi32, #tpu.memory_space<vmem>> -> memref<1x256xi32, #tpu.memory_space<vmem>>
      %dma_wait3A_567 = tpu.memref_squeeze %dma_wait3A_566 : memref<1x256xi32, #tpu.memory_space<vmem>> -> memref<256xi32, #tpu.memory_space<vmem>>
      %dma_wait3A_568 = arith.constant 0 : i32
      %dma_wait3A_569 = arith.constant 0 : i32
      %dma_wait3A_570 = tpu.memref_slice %arg3[%dma_wait3A_568, %dma_wait3A_569] : memref<1000000x64xf32, #tpu.memory_space<hbm>> -> memref<1000000x64xf32, #tpu.memory_space<hbm>>
      %dma_wait3A_571 = tpu.memref_slice %arg7[%dma_wait3A_561] : memref<4x!tpu.dma_semaphore, #tpu.memory_space<semaphore_mem>> -> memref<1x!tpu.dma_semaphore, #tpu.memory_space<semaphore_mem>>
      %dma_wait3A_572 = tpu.memref_squeeze %dma_wait3A_571 : memref<1x!tpu.dma_semaphore, #tpu.memory_space<semaphore_mem>> -> memref<!tpu.dma_semaphore, #tpu.memory_space<semaphore_mem>>
      tpu.wait_indirect_dma semaphore(%dma_wait3A_572 : memref<!tpu.dma_semaphore, #tpu.memory_space<semaphore_mem>>) src(%dma_wait3A_570 : memref<1000000x64xf32, #tpu.memory_space<hbm>>) dst(%dma_wait3A_565 : memref<256x64xf32, #tpu.memory_space<vmem>>)
      %jit3A_573 = arith.constant 2 : i32
      %div3A_574 = arith.divsi %add3A_517, %jit3A_573 : i32
      %sign3A_575 = arith.constant 0 : i32
      %sign3A_576 = arith.cmpi sgt, %add3A_517, %sign3A_575 : i32
      %sign3A_577 = arith.extui %sign3A_576 : i1 to i32
      %sign3A_578 = arith.constant 0 : i32
      %sign3A_579 = arith.cmpi slt, %add3A_517, %sign3A_578 : i32
      %sign3A_580 = arith.extui %sign3A_579 : i1 to i32
      %sign3A_581 = arith.subi %sign3A_577, %sign3A_580 : i32
      %sign3A_582 = arith.constant 0 : i32
      %sign3A_583 = arith.cmpi sgt, %jit3A_573, %sign3A_582 : i32
      %sign3A_584 = arith.extui %sign3A_583 : i1 to i32
      %sign3A_585 = arith.constant 0 : i32
      %sign3A_586 = arith.cmpi slt, %jit3A_573, %sign3A_585 : i32
      %sign3A_587 = arith.extui %sign3A_586 : i1 to i32
      %sign3A_588 = arith.subi %sign3A_584, %sign3A_587 : i32
      %ne3A_589 = arith.cmpi ne, %sign3A_581, %sign3A_588 : i32
      %rem3A_590 = arith.remsi %add3A_517, %jit3A_573 : i32
      %ne3A_591 = arith.constant 0 : i32
      %ne3A_592 = arith.cmpi ne, %rem3A_590, %ne3A_591 : i32
      %and3A_593 = arith.andi %ne3A_589, %ne3A_592 : i1
      %sub3A_594 = arith.constant 1 : i32
      %sub3A_595 = arith.subi %div3A_574, %sub3A_594 : i32
      %select_n3A_596 = arith.select %and3A_593, %sub3A_595, %div3A_574 : i32
      %jit3A_597 = arith.constant 2 : i32
      %eq3A_598 = arith.constant 0 : i32
      %eq3A_599 = arith.cmpi eq, %jit3A_597, %eq3A_598 : i32
      %jit3A_600 = arith.constant 1 : i32
      %select_n3A_601 = arith.select %eq3A_599, %jit3A_600, %jit3A_597 : i32
      %rem3A_602 = arith.remsi %add3A_517, %select_n3A_601 : i32
      %ne3A_603 = arith.constant 0 : i32
      %ne3A_604 = arith.cmpi ne, %rem3A_602, %ne3A_603 : i32
      %lt3A_605 = arith.constant 0 : i32
      %lt3A_606 = arith.cmpi slt, %rem3A_602, %lt3A_605 : i32
      %lt3A_607 = arith.constant 0 : i32
      %lt3A_608 = arith.cmpi slt, %select_n3A_601, %lt3A_607 : i32
      %ne3A_609 = arith.xori %lt3A_606, %lt3A_608 : i1
      %and3A_610 = arith.andi %ne3A_609, %ne3A_604 : i1
      %add3A_611 = arith.addi %rem3A_602, %select_n3A_601 : i32
      %select_n3A_612 = arith.select %and3A_610, %add3A_611, %rem3A_602 : i32
      %mul3A_613 = arith.constant 256 : i32
      %mul3A_614 = arith.muli %select_n3A_612, %mul3A_613 : i32
      %add3A_615 = arith.addi %mul3A_2, %mul3A_614 : i32
      %dma_start3A_616 = arith.constant 3 : i32
      %dma_start3A_617 = arith.constant 3 : i32
      %dma_start3A_618 = arith.constant 0 : i32
      %dma_start3A_619 = arith.constant 0 : i32
      %dma_start3A_620 = tpu.memref_slice %arg6[%dma_start3A_616, %dma_start3A_618, %dma_start3A_619] : memref<4x256x64xf32, #tpu.memory_space<vmem>> -> memref<1x256x64xf32, #tpu.memory_space<vmem>>
      %dma_start3A_621 = tpu.memref_squeeze %dma_start3A_620 : memref<1x256x64xf32, #tpu.memory_space<vmem>> -> memref<256x64xf32, #tpu.memory_space<vmem>>
      %dma_start3A_622 = arith.constant 0 : i32
      %dma_start3A_623 = tpu.memref_slice %arg4[%add3A_615, %select_n3A_596, %dma_start3A_622] : memref<16384x50x64xf32, #tpu.memory_space<hbm>> -> memref<256x1x64xf32, #tpu.memory_space<hbm>>
      %dma_start3A_624 = tpu.memref_squeeze %dma_start3A_623 : memref<256x1x64xf32, #tpu.memory_space<hbm>> -> memref<256x64xf32, #tpu.memory_space<hbm>>
      %dma_start3A_625 = tpu.memref_slice %arg8[%dma_start3A_617] : memref<4x!tpu.dma_semaphore, #tpu.memory_space<semaphore_mem>> -> memref<1x!tpu.dma_semaphore, #tpu.memory_space<semaphore_mem>>
      %dma_start3A_626 = tpu.memref_squeeze %dma_start3A_625 : memref<1x!tpu.dma_semaphore, #tpu.memory_space<semaphore_mem>> -> memref<!tpu.dma_semaphore, #tpu.memory_space<semaphore_mem>>
      %dma_start3A_627 = arith.constant 0 : i32
      %dma_start3A_628 = tpu.memref_slice %arg4[%add3A_615, %select_n3A_596, %dma_start3A_627] : memref<16384x50x64xf32, #tpu.memory_space<hbm>> -> memref<256x1x64xf32, #tpu.memory_space<hbm>>
      %dma_start3A_629 = tpu.memref_squeeze %dma_start3A_628 : memref<256x1x64xf32, #tpu.memory_space<hbm>> -> memref<256x64xf32, #tpu.memory_space<hbm>>
      %dma_start3A_630 = arith.constant 0 : i32
      %dma_start3A_631 = arith.constant 0 : i32
      %dma_start3A_632 = tpu.memref_slice %arg6[%dma_start3A_616, %dma_start3A_630, %dma_start3A_631] : memref<4x256x64xf32, #tpu.memory_space<vmem>> -> memref<1x256x64xf32, #tpu.memory_space<vmem>>
      %dma_start3A_633 = tpu.memref_squeeze %dma_start3A_632 : memref<1x256x64xf32, #tpu.memory_space<vmem>> -> memref<256x64xf32, #tpu.memory_space<vmem>>
      tpu.enqueue_dma source(%dma_start3A_633 : memref<256x64xf32, #tpu.memory_space<vmem>>) target(%dma_start3A_629 : memref<256x64xf32, #tpu.memory_space<hbm>>) target_semaphore(%dma_start3A_626 : memref<!tpu.dma_semaphore, #tpu.memory_space<semaphore_mem>>)
      %lt3A_634 = arith.constant 24 : i32
      %lt3A_635 = arith.cmpi slt, %scan3A_150, %lt3A_634 : i32
      %convert_element_type3A_636 = arith.extui %lt3A_635 : i1 to i32
      %cond3A_637 = arith.constant 0 : i32
      %cond3A_638 = arith.cmpi ne, %convert_element_type3A_636, %cond3A_637 : i32
      scf.if %cond3A_638 {
        %jit3A_639 = arith.constant 2 : i32
        %div3A_640 = arith.divsi %add3A_517, %jit3A_639 : i32
        %sign3A_641 = arith.constant 0 : i32
        %sign3A_642 = arith.cmpi sgt, %add3A_517, %sign3A_641 : i32
        %sign3A_643 = arith.extui %sign3A_642 : i1 to i32
        %sign3A_644 = arith.constant 0 : i32
        %sign3A_645 = arith.cmpi slt, %add3A_517, %sign3A_644 : i32
        %sign3A_646 = arith.extui %sign3A_645 : i1 to i32
        %sign3A_647 = arith.subi %sign3A_643, %sign3A_646 : i32
        %sign3A_648 = arith.constant 0 : i32
        %sign3A_649 = arith.cmpi sgt, %jit3A_639, %sign3A_648 : i32
        %sign3A_650 = arith.extui %sign3A_649 : i1 to i32
        %sign3A_651 = arith.constant 0 : i32
        %sign3A_652 = arith.cmpi slt, %jit3A_639, %sign3A_651 : i32
        %sign3A_653 = arith.extui %sign3A_652 : i1 to i32
        %sign3A_654 = arith.subi %sign3A_650, %sign3A_653 : i32
        %ne3A_655 = arith.cmpi ne, %sign3A_647, %sign3A_654 : i32
        %rem3A_656 = arith.remsi %add3A_517, %jit3A_639 : i32
        %ne3A_657 = arith.constant 0 : i32
        %ne3A_658 = arith.cmpi ne, %rem3A_656, %ne3A_657 : i32
        %and3A_659 = arith.andi %ne3A_655, %ne3A_658 : i1
        %sub3A_660 = arith.constant 1 : i32
        %sub3A_661 = arith.subi %div3A_640, %sub3A_660 : i32
        %select_n3A_662 = arith.select %and3A_659, %sub3A_661, %div3A_640 : i32
        %jit3A_663 = arith.constant 2 : i32
        %eq3A_664 = arith.constant 0 : i32
        %eq3A_665 = arith.cmpi eq, %jit3A_663, %eq3A_664 : i32
        %jit3A_666 = arith.constant 1 : i32
        %select_n3A_667 = arith.select %eq3A_665, %jit3A_666, %jit3A_663 : i32
        %rem3A_668 = arith.remsi %add3A_517, %select_n3A_667 : i32
        %ne3A_669 = arith.constant 0 : i32
        %ne3A_670 = arith.cmpi ne, %rem3A_668, %ne3A_669 : i32
        %lt3A_671 = arith.constant 0 : i32
        %lt3A_672 = arith.cmpi slt, %rem3A_668, %lt3A_671 : i32
        %lt3A_673 = arith.constant 0 : i32
        %lt3A_674 = arith.cmpi slt, %select_n3A_667, %lt3A_673 : i32
        %ne3A_675 = arith.xori %lt3A_672, %lt3A_674 : i1
        %and3A_676 = arith.andi %ne3A_675, %ne3A_670 : i1
        %add3A_677 = arith.addi %rem3A_668, %select_n3A_667 : i32
        %select_n3A_678 = arith.select %and3A_676, %add3A_677, %rem3A_668 : i32
        %mul3A_679 = arith.constant 256 : i32
        %mul3A_680 = arith.muli %select_n3A_678, %mul3A_679 : i32
        %add3A_681 = arith.addi %mul3A_2, %mul3A_680 : i32
        %dma_wait3A_682 = arith.constant 3 : i32
        %dma_wait3A_683 = arith.constant 3 : i32
        %dma_wait3A_684 = arith.constant 0 : i32
        %dma_wait3A_685 = arith.constant 0 : i32
        %dma_wait3A_686 = tpu.memref_slice %arg6[%dma_wait3A_682, %dma_wait3A_684, %dma_wait3A_685] : memref<4x256x64xf32, #tpu.memory_space<vmem>> -> memref<1x256x64xf32, #tpu.memory_space<vmem>>
        %dma_wait3A_687 = tpu.memref_squeeze %dma_wait3A_686 : memref<1x256x64xf32, #tpu.memory_space<vmem>> -> memref<256x64xf32, #tpu.memory_space<vmem>>
        %dma_wait3A_688 = arith.constant 0 : i32
        %dma_wait3A_689 = tpu.memref_slice %arg4[%add3A_681, %select_n3A_662, %dma_wait3A_688] : memref<16384x50x64xf32, #tpu.memory_space<hbm>> -> memref<256x1x64xf32, #tpu.memory_space<hbm>>
        %dma_wait3A_690 = tpu.memref_squeeze %dma_wait3A_689 : memref<256x1x64xf32, #tpu.memory_space<hbm>> -> memref<256x64xf32, #tpu.memory_space<hbm>>
        %dma_wait3A_691 = tpu.memref_slice %arg8[%dma_wait3A_683] : memref<4x!tpu.dma_semaphore, #tpu.memory_space<semaphore_mem>> -> memref<1x!tpu.dma_semaphore, #tpu.memory_space<semaphore_mem>>
        %dma_wait3A_692 = tpu.memref_squeeze %dma_wait3A_691 : memref<1x!tpu.dma_semaphore, #tpu.memory_space<semaphore_mem>> -> memref<!tpu.dma_semaphore, #tpu.memory_space<semaphore_mem>>
        %dma_wait3A_693 = arith.constant 0 : i32
        %dma_wait3A_694 = tpu.memref_slice %arg4[%add3A_681, %select_n3A_662, %dma_wait3A_693] : memref<16384x50x64xf32, #tpu.memory_space<hbm>> -> memref<256x1x64xf32, #tpu.memory_space<hbm>>
        %dma_wait3A_695 = tpu.memref_squeeze %dma_wait3A_694 : memref<256x1x64xf32, #tpu.memory_space<hbm>> -> memref<256x64xf32, #tpu.memory_space<hbm>>
        %dma_wait3A_696 = arith.constant 0 : i32
        %dma_wait3A_697 = arith.constant 0 : i32
        %dma_wait3A_698 = tpu.memref_slice %arg6[%dma_wait3A_682, %dma_wait3A_696, %dma_wait3A_697] : memref<4x256x64xf32, #tpu.memory_space<vmem>> -> memref<1x256x64xf32, #tpu.memory_space<vmem>>
        %dma_wait3A_699 = tpu.memref_squeeze %dma_wait3A_698 : memref<1x256x64xf32, #tpu.memory_space<vmem>> -> memref<256x64xf32, #tpu.memory_space<vmem>>
        tpu.wait_dma2 semaphore(%dma_wait3A_692 : memref<!tpu.dma_semaphore, #tpu.memory_space<semaphore_mem>>) src(%dma_wait3A_699 : memref<256x64xf32, #tpu.memory_space<vmem>>) dst(%dma_wait3A_695 : memref<256x64xf32, #tpu.memory_space<hbm>>)
        %add3A_700 = arith.constant 4 : i32
        %add3A_701 = arith.addi %add3A_517, %add3A_700 : i32
        %jit3A_702 = arith.constant 2 : i32
        %div3A_703 = arith.divsi %add3A_701, %jit3A_702 : i32
        %sign3A_704 = arith.constant 0 : i32
        %sign3A_705 = arith.cmpi sgt, %add3A_701, %sign3A_704 : i32
        %sign3A_706 = arith.extui %sign3A_705 : i1 to i32
        %sign3A_707 = arith.constant 0 : i32
        %sign3A_708 = arith.cmpi slt, %add3A_701, %sign3A_707 : i32
        %sign3A_709 = arith.extui %sign3A_708 : i1 to i32
        %sign3A_710 = arith.subi %sign3A_706, %sign3A_709 : i32
        %sign3A_711 = arith.constant 0 : i32
        %sign3A_712 = arith.cmpi sgt, %jit3A_702, %sign3A_711 : i32
        %sign3A_713 = arith.extui %sign3A_712 : i1 to i32
        %sign3A_714 = arith.constant 0 : i32
        %sign3A_715 = arith.cmpi slt, %jit3A_702, %sign3A_714 : i32
        %sign3A_716 = arith.extui %sign3A_715 : i1 to i32
        %sign3A_717 = arith.subi %sign3A_713, %sign3A_716 : i32
        %ne3A_718 = arith.cmpi ne, %sign3A_710, %sign3A_717 : i32
        %rem3A_719 = arith.remsi %add3A_701, %jit3A_702 : i32
        %ne3A_720 = arith.constant 0 : i32
        %ne3A_721 = arith.cmpi ne, %rem3A_719, %ne3A_720 : i32
        %and3A_722 = arith.andi %ne3A_718, %ne3A_721 : i1
        %sub3A_723 = arith.constant 1 : i32
        %sub3A_724 = arith.subi %div3A_703, %sub3A_723 : i32
        %select_n3A_725 = arith.select %and3A_722, %sub3A_724, %div3A_703 : i32
        %jit3A_726 = arith.constant 2 : i32
        %eq3A_727 = arith.constant 0 : i32
        %eq3A_728 = arith.cmpi eq, %jit3A_726, %eq3A_727 : i32
        %jit3A_729 = arith.constant 1 : i32
        %select_n3A_730 = arith.select %eq3A_728, %jit3A_729, %jit3A_726 : i32
        %rem3A_731 = arith.remsi %add3A_701, %select_n3A_730 : i32
        %ne3A_732 = arith.constant 0 : i32
        %ne3A_733 = arith.cmpi ne, %rem3A_731, %ne3A_732 : i32
        %lt3A_734 = arith.constant 0 : i32
        %lt3A_735 = arith.cmpi slt, %rem3A_731, %lt3A_734 : i32
        %lt3A_736 = arith.constant 0 : i32
        %lt3A_737 = arith.cmpi slt, %select_n3A_730, %lt3A_736 : i32
        %ne3A_738 = arith.xori %lt3A_735, %lt3A_737 : i1
        %and3A_739 = arith.andi %ne3A_738, %ne3A_733 : i1
        %add3A_740 = arith.addi %rem3A_731, %select_n3A_730 : i32
        %select_n3A_741 = arith.select %and3A_739, %add3A_740, %rem3A_731 : i32
        %mul3A_742 = arith.constant 256 : i32
        %mul3A_743 = arith.muli %select_n3A_741, %mul3A_742 : i32
        %dma_start3A_744 = arith.constant 3 : i32
        %dma_start3A_745 = arith.constant 3 : i32
        %dma_start3A_746 = arith.constant 0 : i32
        %dma_start3A_747 = arith.constant 0 : i32
        %dma_start3A_748 = tpu.memref_slice %arg6[%dma_start3A_744, %dma_start3A_746, %dma_start3A_747] : memref<4x256x64xf32, #tpu.memory_space<vmem>> -> memref<1x256x64xf32, #tpu.memory_space<vmem>>
        %dma_start3A_749 = tpu.memref_squeeze %dma_start3A_748 : memref<1x256x64xf32, #tpu.memory_space<vmem>> -> memref<256x64xf32, #tpu.memory_space<vmem>>
        %dma_start3A_750 = tpu.memref_slice %arg5[%select_n3A_725, %mul3A_743] : memref<50x512xi32, #tpu.memory_space<vmem>> -> memref<1x256xi32, #tpu.memory_space<vmem>>
        %dma_start3A_751 = tpu.memref_squeeze %dma_start3A_750 : memref<1x256xi32, #tpu.memory_space<vmem>> -> memref<256xi32, #tpu.memory_space<vmem>>
        %dma_start3A_752 = arith.constant 0 : i32
        %dma_start3A_753 = arith.constant 0 : i32
        %dma_start3A_754 = tpu.memref_slice %arg3[%dma_start3A_752, %dma_start3A_753] : memref<1000000x64xf32, #tpu.memory_space<hbm>> -> memref<1000000x64xf32, #tpu.memory_space<hbm>>
        %dma_start3A_755 = tpu.memref_slice %arg7[%dma_start3A_745] : memref<4x!tpu.dma_semaphore, #tpu.memory_space<semaphore_mem>> -> memref<1x!tpu.dma_semaphore, #tpu.memory_space<semaphore_mem>>
        %dma_start3A_756 = tpu.memref_squeeze %dma_start3A_755 : memref<1x!tpu.dma_semaphore, #tpu.memory_space<semaphore_mem>> -> memref<!tpu.dma_semaphore, #tpu.memory_space<semaphore_mem>>
        tpu.enqueue_indirect_dma source(%dma_start3A_754 : memref<1000000x64xf32, #tpu.memory_space<hbm>>) target(%dma_start3A_749 : memref<256x64xf32, #tpu.memory_space<vmem>>) offsets(%dma_start3A_751 : memref<256xi32, #tpu.memory_space<vmem>>) semaphore(%dma_start3A_756 : memref<!tpu.dma_semaphore, #tpu.memory_space<semaphore_mem>>)
      } else {
      }
    }
    %scan3A_66 = arith.constant 25 : i32
    %add3A_67 = arith.constant 0 : i32
    %add3A_68 = arith.addi %mul3A_2, %add3A_67 : i32
    %dma_wait3A = arith.constant 0 : i32
    %dma_wait3A_69 = arith.constant 48 : i32
    %dma_wait3A_70 = arith.constant 0 : i32
    %dma_wait3A_71 = arith.constant 0 : i32
    %dma_wait3A_72 = arith.constant 0 : i32
    %dma_wait3A_73 = tpu.memref_slice %arg6[%dma_wait3A, %dma_wait3A_71, %dma_wait3A_72] : memref<4x256x64xf32, #tpu.memory_space<vmem>> -> memref<1x256x64xf32, #tpu.memory_space<vmem>>
    %dma_wait3A_74 = tpu.memref_squeeze %dma_wait3A_73 : memref<1x256x64xf32, #tpu.memory_space<vmem>> -> memref<256x64xf32, #tpu.memory_space<vmem>>
    %dma_wait3A_75 = arith.constant 0 : i32
    %dma_wait3A_76 = tpu.memref_slice %arg4[%add3A_68, %dma_wait3A_69, %dma_wait3A_75] : memref<16384x50x64xf32, #tpu.memory_space<hbm>> -> memref<256x1x64xf32, #tpu.memory_space<hbm>>
    %dma_wait3A_77 = tpu.memref_squeeze %dma_wait3A_76 : memref<256x1x64xf32, #tpu.memory_space<hbm>> -> memref<256x64xf32, #tpu.memory_space<hbm>>
    %dma_wait3A_78 = tpu.memref_slice %arg8[%dma_wait3A_70] : memref<4x!tpu.dma_semaphore, #tpu.memory_space<semaphore_mem>> -> memref<1x!tpu.dma_semaphore, #tpu.memory_space<semaphore_mem>>
    %dma_wait3A_79 = tpu.memref_squeeze %dma_wait3A_78 : memref<1x!tpu.dma_semaphore, #tpu.memory_space<semaphore_mem>> -> memref<!tpu.dma_semaphore, #tpu.memory_space<semaphore_mem>>
    %dma_wait3A_80 = arith.constant 0 : i32
    %dma_wait3A_81 = tpu.memref_slice %arg4[%add3A_68, %dma_wait3A_69, %dma_wait3A_80] : memref<16384x50x64xf32, #tpu.memory_space<hbm>> -> memref<256x1x64xf32, #tpu.memory_space<hbm>>
    %dma_wait3A_82 = tpu.memref_squeeze %dma_wait3A_81 : memref<256x1x64xf32, #tpu.memory_space<hbm>> -> memref<256x64xf32, #tpu.memory_space<hbm>>
    %dma_wait3A_83 = arith.constant 0 : i32
    %dma_wait3A_84 = arith.constant 0 : i32
    %dma_wait3A_85 = tpu.memref_slice %arg6[%dma_wait3A, %dma_wait3A_83, %dma_wait3A_84] : memref<4x256x64xf32, #tpu.memory_space<vmem>> -> memref<1x256x64xf32, #tpu.memory_space<vmem>>
    %dma_wait3A_86 = tpu.memref_squeeze %dma_wait3A_85 : memref<1x256x64xf32, #tpu.memory_space<vmem>> -> memref<256x64xf32, #tpu.memory_space<vmem>>
    tpu.wait_dma2 semaphore(%dma_wait3A_79 : memref<!tpu.dma_semaphore, #tpu.memory_space<semaphore_mem>>) src(%dma_wait3A_86 : memref<256x64xf32, #tpu.memory_space<vmem>>) dst(%dma_wait3A_82 : memref<256x64xf32, #tpu.memory_space<hbm>>)
    %add3A_87 = arith.constant 256 : i32
    %add3A_88 = arith.addi %mul3A_2, %add3A_87 : i32
    %dma_wait3A_89 = arith.constant 1 : i32
    %dma_wait3A_90 = arith.constant 48 : i32
    %dma_wait3A_91 = arith.constant 1 : i32
    %dma_wait3A_92 = arith.constant 0 : i32
    %dma_wait3A_93 = arith.constant 0 : i32
    %dma_wait3A_94 = tpu.memref_slice %arg6[%dma_wait3A_89, %dma_wait3A_92, %dma_wait3A_93] : memref<4x256x64xf32, #tpu.memory_space<vmem>> -> memref<1x256x64xf32, #tpu.memory_space<vmem>>
    %dma_wait3A_95 = tpu.memref_squeeze %dma_wait3A_94 : memref<1x256x64xf32, #tpu.memory_space<vmem>> -> memref<256x64xf32, #tpu.memory_space<vmem>>
    %dma_wait3A_96 = arith.constant 0 : i32
    %dma_wait3A_97 = tpu.memref_slice %arg4[%add3A_88, %dma_wait3A_90, %dma_wait3A_96] : memref<16384x50x64xf32, #tpu.memory_space<hbm>> -> memref<256x1x64xf32, #tpu.memory_space<hbm>>
    %dma_wait3A_98 = tpu.memref_squeeze %dma_wait3A_97 : memref<256x1x64xf32, #tpu.memory_space<hbm>> -> memref<256x64xf32, #tpu.memory_space<hbm>>
    %dma_wait3A_99 = tpu.memref_slice %arg8[%dma_wait3A_91] : memref<4x!tpu.dma_semaphore, #tpu.memory_space<semaphore_mem>> -> memref<1x!tpu.dma_semaphore, #tpu.memory_space<semaphore_mem>>
    %dma_wait3A_100 = tpu.memref_squeeze %dma_wait3A_99 : memref<1x!tpu.dma_semaphore, #tpu.memory_space<semaphore_mem>> -> memref<!tpu.dma_semaphore, #tpu.memory_space<semaphore_mem>>
    %dma_wait3A_101 = arith.constant 0 : i32
    %dma_wait3A_102 = tpu.memref_slice %arg4[%add3A_88, %dma_wait3A_90, %dma_wait3A_101] : memref<16384x50x64xf32, #tpu.memory_space<hbm>> -> memref<256x1x64xf32, #tpu.memory_space<hbm>>
    %dma_wait3A_103 = tpu.memref_squeeze %dma_wait3A_102 : memref<256x1x64xf32, #tpu.memory_space<hbm>> -> memref<256x64xf32, #tpu.memory_space<hbm>>
    %dma_wait3A_104 = arith.constant 0 : i32
    %dma_wait3A_105 = arith.constant 0 : i32
    %dma_wait3A_106 = tpu.memref_slice %arg6[%dma_wait3A_89, %dma_wait3A_104, %dma_wait3A_105] : memref<4x256x64xf32, #tpu.memory_space<vmem>> -> memref<1x256x64xf32, #tpu.memory_space<vmem>>
    %dma_wait3A_107 = tpu.memref_squeeze %dma_wait3A_106 : memref<1x256x64xf32, #tpu.memory_space<vmem>> -> memref<256x64xf32, #tpu.memory_space<vmem>>
    tpu.wait_dma2 semaphore(%dma_wait3A_100 : memref<!tpu.dma_semaphore, #tpu.memory_space<semaphore_mem>>) src(%dma_wait3A_107 : memref<256x64xf32, #tpu.memory_space<vmem>>) dst(%dma_wait3A_103 : memref<256x64xf32, #tpu.memory_space<hbm>>)
    %add3A_108 = arith.constant 0 : i32
    %add3A_109 = arith.addi %mul3A_2, %add3A_108 : i32
    %dma_wait3A_110 = arith.constant 2 : i32
    %dma_wait3A_111 = arith.constant 49 : i32
    %dma_wait3A_112 = arith.constant 2 : i32
    %dma_wait3A_113 = arith.constant 0 : i32
    %dma_wait3A_114 = arith.constant 0 : i32
    %dma_wait3A_115 = tpu.memref_slice %arg6[%dma_wait3A_110, %dma_wait3A_113, %dma_wait3A_114] : memref<4x256x64xf32, #tpu.memory_space<vmem>> -> memref<1x256x64xf32, #tpu.memory_space<vmem>>
    %dma_wait3A_116 = tpu.memref_squeeze %dma_wait3A_115 : memref<1x256x64xf32, #tpu.memory_space<vmem>> -> memref<256x64xf32, #tpu.memory_space<vmem>>
    %dma_wait3A_117 = arith.constant 0 : i32
    %dma_wait3A_118 = tpu.memref_slice %arg4[%add3A_109, %dma_wait3A_111, %dma_wait3A_117] : memref<16384x50x64xf32, #tpu.memory_space<hbm>> -> memref<256x1x64xf32, #tpu.memory_space<hbm>>
    %dma_wait3A_119 = tpu.memref_squeeze %dma_wait3A_118 : memref<256x1x64xf32, #tpu.memory_space<hbm>> -> memref<256x64xf32, #tpu.memory_space<hbm>>
    %dma_wait3A_120 = tpu.memref_slice %arg8[%dma_wait3A_112] : memref<4x!tpu.dma_semaphore, #tpu.memory_space<semaphore_mem>> -> memref<1x!tpu.dma_semaphore, #tpu.memory_space<semaphore_mem>>
    %dma_wait3A_121 = tpu.memref_squeeze %dma_wait3A_120 : memref<1x!tpu.dma_semaphore, #tpu.memory_space<semaphore_mem>> -> memref<!tpu.dma_semaphore, #tpu.memory_space<semaphore_mem>>
    %dma_wait3A_122 = arith.constant 0 : i32
    %dma_wait3A_123 = tpu.memref_slice %arg4[%add3A_109, %dma_wait3A_111, %dma_wait3A_122] : memref<16384x50x64xf32, #tpu.memory_space<hbm>> -> memref<256x1x64xf32, #tpu.memory_space<hbm>>
    %dma_wait3A_124 = tpu.memref_squeeze %dma_wait3A_123 : memref<256x1x64xf32, #tpu.memory_space<hbm>> -> memref<256x64xf32, #tpu.memory_space<hbm>>
    %dma_wait3A_125 = arith.constant 0 : i32
    %dma_wait3A_126 = arith.constant 0 : i32
    %dma_wait3A_127 = tpu.memref_slice %arg6[%dma_wait3A_110, %dma_wait3A_125, %dma_wait3A_126] : memref<4x256x64xf32, #tpu.memory_space<vmem>> -> memref<1x256x64xf32, #tpu.memory_space<vmem>>
    %dma_wait3A_128 = tpu.memref_squeeze %dma_wait3A_127 : memref<1x256x64xf32, #tpu.memory_space<vmem>> -> memref<256x64xf32, #tpu.memory_space<vmem>>
    tpu.wait_dma2 semaphore(%dma_wait3A_121 : memref<!tpu.dma_semaphore, #tpu.memory_space<semaphore_mem>>) src(%dma_wait3A_128 : memref<256x64xf32, #tpu.memory_space<vmem>>) dst(%dma_wait3A_124 : memref<256x64xf32, #tpu.memory_space<hbm>>)
    %add3A_129 = arith.constant 256 : i32
    %add3A_130 = arith.addi %mul3A_2, %add3A_129 : i32
    %dma_wait3A_131 = arith.constant 3 : i32
    %dma_wait3A_132 = arith.constant 49 : i32
    %dma_wait3A_133 = arith.constant 3 : i32
    %dma_wait3A_134 = arith.constant 0 : i32
    %dma_wait3A_135 = arith.constant 0 : i32
    %dma_wait3A_136 = tpu.memref_slice %arg6[%dma_wait3A_131, %dma_wait3A_134, %dma_wait3A_135] : memref<4x256x64xf32, #tpu.memory_space<vmem>> -> memref<1x256x64xf32, #tpu.memory_space<vmem>>
    %dma_wait3A_137 = tpu.memref_squeeze %dma_wait3A_136 : memref<1x256x64xf32, #tpu.memory_space<vmem>> -> memref<256x64xf32, #tpu.memory_space<vmem>>
    %dma_wait3A_138 = arith.constant 0 : i32
    %dma_wait3A_139 = tpu.memref_slice %arg4[%add3A_130, %dma_wait3A_132, %dma_wait3A_138] : memref<16384x50x64xf32, #tpu.memory_space<hbm>> -> memref<256x1x64xf32, #tpu.memory_space<hbm>>
    %dma_wait3A_140 = tpu.memref_squeeze %dma_wait3A_139 : memref<256x1x64xf32, #tpu.memory_space<hbm>> -> memref<256x64xf32, #tpu.memory_space<hbm>>
    %dma_wait3A_141 = tpu.memref_slice %arg8[%dma_wait3A_133] : memref<4x!tpu.dma_semaphore, #tpu.memory_space<semaphore_mem>> -> memref<1x!tpu.dma_semaphore, #tpu.memory_space<semaphore_mem>>
    %dma_wait3A_142 = tpu.memref_squeeze %dma_wait3A_141 : memref<1x!tpu.dma_semaphore, #tpu.memory_space<semaphore_mem>> -> memref<!tpu.dma_semaphore, #tpu.memory_space<semaphore_mem>>
    %dma_wait3A_143 = arith.constant 0 : i32
    %dma_wait3A_144 = tpu.memref_slice %arg4[%add3A_130, %dma_wait3A_132, %dma_wait3A_143] : memref<16384x50x64xf32, #tpu.memory_space<hbm>> -> memref<256x1x64xf32, #tpu.memory_space<hbm>>
    %dma_wait3A_145 = tpu.memref_squeeze %dma_wait3A_144 : memref<256x1x64xf32, #tpu.memory_space<hbm>> -> memref<256x64xf32, #tpu.memory_space<hbm>>
    %dma_wait3A_146 = arith.constant 0 : i32
    %dma_wait3A_147 = arith.constant 0 : i32
    %dma_wait3A_148 = tpu.memref_slice %arg6[%dma_wait3A_131, %dma_wait3A_146, %dma_wait3A_147] : memref<4x256x64xf32, #tpu.memory_space<vmem>> -> memref<1x256x64xf32, #tpu.memory_space<vmem>>
    %dma_wait3A_149 = tpu.memref_squeeze %dma_wait3A_148 : memref<1x256x64xf32, #tpu.memory_space<vmem>> -> memref<256x64xf32, #tpu.memory_space<vmem>>
    tpu.wait_dma2 semaphore(%dma_wait3A_142 : memref<!tpu.dma_semaphore, #tpu.memory_space<semaphore_mem>>) src(%dma_wait3A_149 : memref<256x64xf32, #tpu.memory_space<vmem>>) dst(%dma_wait3A_145 : memref<256x64xf32, #tpu.memory_space<hbm>>)
    return
  }
}

</mosaic_0001>

<sc_bundles>
// kernel: kernel.3.cloned.1.call-start
scs
__scs_entry_jumppad:
0x0: {  	(pc) =	sbr.rel $0x88, $3  }
0x1: {  	(tag) =	ssettag $0x0;
	lr =	simm.s32 $0x1  }
0x2: {  	[smem:$0x3F9F] =	sst lr;
	_ =	strace $0xD0000000  }
0x3: {  	_ = 	snop  }
0x4: {  	_ = 	snop  }
0x5: {  	_ = 	snop  }
0x6: {  	_ = 	snop  }
0x7: {  	_ = 	snop  }
__scs_overlays_trampoline_lowered:
0x8: {  	[smem:$0x3FAE] =	sst s0  }
0x9: {  	[smem:$0x3FAF] =	sst s1  }
0xa: {  	[smem:$0x3FB0] =	sst s2  }
0xb: {  	[smem:$0x3FB1] =	sst s3  }
0xc: {  	[smem:$0x3FB2] =	sst s4  }
0xd: {  	[smem:$0x3FB3] =	sst s5  }
0xe: {  	[smem:$0x3FB4] =	sst s6  }
0xf: {  	[smem:$0x3FB5] =	sst s7  }
0x10: {  	[smem:$0x3FB6] =	sst s8  }
0x11: {  	[smem:$0x3FB7] =	sst s9;
	s0 =	simm.s32 @!p0 $0x0  }
0x12: {  	s1 =	sld [smem:$0x3F9D];
	s0 =	simm.s32 @p0 $0x1  }
0x13: {  	[smem:$0x3FB8] =	sst s0;
	s0 =	simm.s32 @!p1 $0x0  }
0x14: {  	s2 =	sld [smem:$0x3F9C];
	s0 =	simm.s32 @p1 $0x1  }
0x15: {  	[smem:$0x3FB9] =	sst s0;
	s0 =	simm.s32 @!p2 $0x0  }
0x16: {  	s3 =	sld [smem:$0x3FDB];
	s0 =	simm.s32 @p2 $0x1  }
0x17: {  	s4 =	simm.s32 $0x1BF5;
	[smem:$0x3FBB] =	sst s0  }
0x18: {  	s0 =	sld [smem:$0x3F9E];
	_ =	swait.ge [sflag:s4], $0x0  }
0x19: {  	s7 =	sld [smem:$0x3F9F]  }
0x1a: {  	s8 =	sadd.s32 $0xFFFFE003, lr  }
0x1b: {  	s9 =	sadd.s32 $0xFFFFFEF7, lr;
	s5 =	simm.s32 $0xFFFFFFFF;
	p2 =	slt.u32 s8, $0xFFFFF086  }
0x1c: {  	p1 =	slt.u32 s9, $0xF7A;
	s5 =	simm.s32 @!p2 $0x0  }
0x1d: {  	s5 =	simm.s32 @p1 $0x1;
	p0 =	seq.s32 s7, s2  }
0x1e: {  	s7 =	smul.u32 @!p0 $0xF7A, s2;
	p2 =	seq.s32 @!p0 s5, $0x0  }
0x1f: {  	s9 =	smul.u32 $0xF7A, s1;
	s8 =	simm.s32 @!p0 $0x1BF5;
	p2 =	por !p2, p0  }
0x20: {  	[sflag:s8] =	ssyncset.s32 @!p0 $0xFFFFF086;
	s6 =	sadd.s32 @!p0 s3, s7;
	s7 =	simm.s32 @!p0 $0x108  }
0x21: {  	s3 =	sadd.s32 s3, s9;
	s6 =	sadd.s32 @!p0 $0x88, s6;
	s7 =	simm.s32 @p2 $0x1082  }
0x22: {  	[simem:s7], [sflag:s8] =	dma.local @!p0 [hbm:s6], $0xF7A  }
0x23: {  	s9 =	sor.u32 $0xD0000000, s2;
	s6 =	simm.s32 $0x108;
	_ =	swait.ge @!p0 [sflag:s8], $0x0  }
0x24: {  	s3 =	sadd.s32 $0x88, s3;
	s6 =	simm.s32 @!p1 $0x1082;
	[sflag:s4] =	ssyncset.s32 $0xFFFFF086  }
0x25: {  	[simem:s6], [sflag:s4] =	dma.local [hbm:s3], $0xF7A  }
0x26: {  	[smem:$0x3F9F] =	sst s1;
	(tag) =	ssettag s2;
	_ =	strace s9  }
0x27: {  	s1 =	sld [smem:$0x3FAF]  }
0x28: {  	s2 =	sld [smem:$0x3FB0]  }
0x29: {  	s4 =	sld [smem:$0x3FB2]  }
0x2a: {  	p0 =	seq.s32 s5, $0x0;
	s5 =	sld [smem:$0x3FB3]  }
0x2b: {  	s6 =	sld [smem:$0x3FB4]  }
0x2c: {  	s7 =	sld [smem:$0x3FB5]  }
0x2d: {  	s3 =	simm.s32 $0x108;
	s8 =	sld [smem:$0x3FB6]  }
0x2e: {  	s3 =	simm.s32 @!p0 $0x1082;
	s9 =	sld [smem:$0x3FB7]  }
0x2f: {  	lr =	sadd.s32 s0, s3;
	s0 =	sld [smem:$0x3FAE]  }
0x30: {  	s3 =	sld [smem:$0x3FB1]  }
0x31: {  	[smem:$0x3FBA] =	sst s10  }
0x32: {  	s10 =	sld [smem:$0x3FB8];
	_ =	sdelay $0x3  }
0x33: {  	p0 =	seq.s32 s10, $0x1;
	s10 =	sld [smem:$0x3FBA];
	_ =	sdelay $0x3  }
0x34: {  	[smem:$0x3FBA] =	sst s10  }
0x35: {  	s10 =	sld [smem:$0x3FB9];
	_ =	sdelay $0x3  }
0x36: {  	p1 =	seq.s32 s10, $0x1;
	s10 =	sld [smem:$0x3FBA];
	_ =	sdelay $0x3  }
0x37: {  	[smem:$0x3FBA] =	sst s10  }
0x38: {  	s10 =	sld [smem:$0x3FBB]  }
0x39: {  	_ = 	snop;
	(pc) =	sbr.ind lr, $3  }
0x3a: {  	_ = 	snop  }
0x3b: {  	_ = 	snop  }
0x3c: {  	p2 =	seq.s32 s10, $0x1;
	s10 =	sld [smem:$0x3FBA]  }
0x3d: {  	_ =	shalt  }
0x3e: {  	_ =	shalt  }
0x3f: {  	_ =	shalt  }
0x40: {  	_ =	shalt  }
0x41: {  	_ =	shalt  }
0x42: {  	_ =	shalt  }
0x43: {  	_ =	shalt  }
0x44: {  	_ =	shalt  }
0x45: {  	_ =	shalt  }
0x46: {  	_ =	shalt  }
0x47: {  	_ =	shalt  }
0x48: {  	_ =	shalt  }
0x49: {  	_ =	shalt  }
0x4a: {  	_ =	shalt  }
0x4b: {  	_ =	shalt  }
0x4c: {  	_ =	shalt  }
0x4d: {  	_ =	shalt  }
0x4e: {  	_ =	shalt  }
0x4f: {  	_ =	shalt  }
0x50: {  	_ =	shalt  }
0x51: {  	_ =	shalt  }
0x52: {  	_ =	shalt  }
0x53: {  	_ =	shalt  }
0x54: {  	_ =	shalt  }
0x55: {  	_ =	shalt  }
0x56: {  	_ =	shalt  }
0x57: {  	_ =	shalt  }
0x58: {  	_ =	shalt  }
0x59: {  	_ =	shalt  }
0x5a: {  	_ =	shalt  }
0x5b: {  	_ =	shalt  }
0x5c: {  	_ =	shalt  }
0x5d: {  	_ =	shalt  }
0x5e: {  	_ =	shalt  }
0x5f: {  	_ =	shalt  }
0x60: {  	_ =	shalt  }
0x61: {  	_ =	shalt  }
0x62: {  	_ =	shalt  }
0x63: {  	_ =	shalt  }
0x64: {  	_ =	shalt  }
0x65: {  	_ =	shalt  }
0x66: {  	_ =	shalt  }
0x67: {  	_ =	shalt  }
0x68: {  	_ =	shalt  }
0x69: {  	_ =	shalt  }
0x6a: {  	_ =	shalt  }
0x6b: {  	_ =	shalt  }
0x6c: {  	_ =	shalt  }
0x6d: {  	_ =	shalt  }
0x6e: {  	_ =	shalt  }
0x6f: {  	_ =	shalt  }
0x70: {  	_ =	shalt  }
0x71: {  	_ =	shalt  }
0x72: {  	_ =	shalt  }
0x73: {  	_ =	shalt  }
0x74: {  	_ =	shalt  }
0x75: {  	_ =	shalt  }
0x76: {  	_ =	shalt  }
0x77: {  	_ =	shalt  }
0x78: {  	_ =	shalt  }
0x79: {  	_ =	shalt  }
0x7a: {  	_ =	shalt  }
0x7b: {  	_ =	shalt  }
0x7c: {  	_ =	shalt  }
0x7d: {  	_ =	shalt  }
0x7e: {  	_ =	shalt  }
0x7f: {  	_ =	shalt  }
0x80: {  	_ =	shalt  }
0x81: {  	_ =	shalt  }
0x82: {  	_ =	shalt  }
0x83: {  	_ =	shalt  }
0x84: {  	_ =	shalt  }
0x85: {  	_ =	shalt  }
0x86: {  	_ =	shalt  }
0x87: {  	_ =	shalt  }
.Lfunc_end0:
.L_simem_size_0:
called_computation.1_lowered:
.L_overlay_start_0:
0x88: {  	s2 =	sld [smem:$0x3FD9]  }
0x89: {  	s3 =	sld [smem:$0x3FFE];
	_ =	sdelay $0x1  }
0x8a: {  	s1 =	srdreg.scid  }
0x8b: {  	s0 =	sand.u32 $0x1, s1  }
0x8c: {  	s17 =	sshll.u32 s0, $0xA;
	s2 =	sadd.s32 s3, s2  }
0x8d: {  	s2 =	sadd.s32 s2, s17  }
0x8e: {  	[smem:$0x3FC6] =	sst s2  }
0x8f: {  	_ = 	snop  }
0x90: {  	s2 =	sld [smem:$0x3FD0];
	(tm) =	ssettm $0x1  }
0x91: {  	s18 =	sld [smem:$0x3FFB];
	_ =	sdelay $0x3  }
0x92: {  	_ =	strace s18  }
0x93: {  	s3 =	sld [smem:$0x3FFC];
	_ =	sdelay $0x3  }
0x94: {  	_ =	strace s3  }
0x95: {  	s3 =	sld [smem:$0x3FFD];
	_ =	sdelay $0x3  }
0x96: {  	_ =	strace s3  }
0x97: {  	_ =	strace $0x8FFFFFFF  }
0x98: {  	s19 =	sld [smem:$0x3FDB];
	_ =	sdelay $0x1  }
0x99: {  	s4 =	simm.s32 $_scs_section_size  }
0x9a: {  	s5 =	simm.s32 $_size__tile_overlayer_lowered;
	s6 =	simm.s32 $_tile_overlayer_lowered  }
0x9b: {  	s22 =	simm.s32 $0x1BFF;
	s21 =	sshll.u32 s6, $0x1;
	s3 =	sadd.s32 s4, s19  }
0x9c: {  	s7 =	simm.s32 $0x0;
	s20 =	sshll.u32 s5, $0x1;
	s5 =	sadd.s32 s21, s3  }
0x9d: {  	[timem:s7], [sflag:s22] =	dma.local [hbm:s5], s20  }
0x9e: {  	_ =	swait.ge [sflag:s22], s20  }
0x9f: {  	s4 =	ssub.s32 $0x0, s20;
	[sflag:s22] =	ssyncset.done $0x0  }
0xa0: {  	[sflag:s22] =	ssyncadd.s32 s4;
	_ =	sdelay $0x1  }
0xa1: {  	s23 =	simm.s32 $0x1B8B  }
0xa2: {  	_ =	swait.ge [sflag:s23], $0x1  }
0xa3: {  	[sflag:s23] =	ssyncset.done $0x0  }
0xa4: {  	s25 =	simm.s32 $0x1B8E;
	s24 =	sld [smem:$0x3FFE];
	[sflag:s23] =	ssyncadd.s32 $0xFFFFFFFF  }
0xa5: {  	s26 =	simm.s32 $execute0_lowered;
	[smem:$0x3FD2] =	sst s25  }
0xa6: {  	s5 =	sshll.u32 s26, $0x1;
	_ =	strace $0x80000046;
	[dreg:$0x1] =	wrdreg $0xFFFFFFFF  }
0xa7: {  	s28 =	simm.s32 $_size_execute0_lowered;
	s3 =	sadd.s32 s3, s5;
	[dreg:$0x0] =	wrdreg $0x0  }
0xa8: {  	s5 =	sshll.u32 s28, $0x1;
	[dreg:$0x2] =	wrdreg s3  }
0xa9: {  	[dreg:$0x3] =	wrdreg s5  }
0xaa: {  	[dreg:$0x4] =	wrdreg $0xC0  }
0xab: {  	_ =	task [dreg:s7], $0x5FFFF  }
0xac: {  	[dreg:$0x1] =	wrdreg $0xFFFFFFFF  }
0xad: {  	[dreg:$0x0] =	wrdreg $0x60  }
0xae: {  	[dreg:$0x2] =	wrdreg s24  }
0xaf: {  	[dreg:$0x3] =	wrdreg s2  }
0xb0: {  	[dreg:$0x4] =	wrdreg $0x9  }
0xb1: {  	_ =	task.clear_ibuf [dreg:s7], $0x5FFFF;
	_ =	strace $0x90000046  }
0xb2: {  	s29 =	simm.s32 $0x9;
	_ =	strace $0x80000048  }
0xb3: {  	_ =	swait.ge [sflag:s29], $0x1  }
0xb4: {  	[sflag:s29] =	ssyncadd.s32 $0xFFFFFFFF  }
0xb5: {  	_ =	strace $0x90000048  }
0xb6: {  	_ =	sfence  }
0xb7: {  	s30 =	sld [smem:$0x0];
	_ =	sdelay $0x2  }
0xb8: {  	s31 =	sshll.u32 s1, $0xD;
	s1 =	sshrl.u32 s1, $0x2  }
0xb9: {  	s3 =	sand.u32 $0x4000, s31;
	s1 =	sadd.s32 s1, s30  }
0xba: {  	s0 =	sor.u32 s3, s0;
	s1 =	sshll.u32 s1, $0x11  }
0xbb: {  	s0 =	sor.u32 s1, s0  }
0xbc: {  	s0 =	sadd.s32 $0x8F2B, s0  }
0xbd: {  	[sflag:s0] =	ssyncadd.remote.s32 $0x1  }
0xbe: {  	_ =	sfence.sel $0xFFFF  }
0xbf: {  	[dreg:$0x0] =	wrdreg $0xFFFFFFFF;
	(pc) =	sbr.abs _section_cstart, $3  }
0xc0: {  	[dreg:$0x1] =	wrdreg $0xFFFFFFFF  }
0xc1: {  	_ =	task.clear_ibuf [dreg:s7], $0x2FFFF;
	_ =	strace $0x9FFFFFFF  }
0xc2: {  	(tm) =	ssettm $0x7FFFFFFF  }
0xc3: {  	_ =	shalt  }
tec
execute0_lowered:
.L_overlay_start_1:
0x0: {  	(tag) =	ssettag $0x1  }
0x1: {  	s0 =	rddreg [dreg:$0x0]  }
0x2: {  	s1 =	rddreg [dreg:$0x1]  }
0x3: {  	s2 =	srdreg.scid;
	s7 =	stileid.u32;
	s19 =	simm.s32 $0x0  }
0x4: {  	s12 =	simm.s32 $0x200;
	s14 =	simm.s32 $0x9;
	s15 =	simm.s32 $0x100  }
0x5: {  	s16 =	simm.s32 $0x6400;
	s18 =	simm.s32 $0xE400;
	s28 =	simm.s32 $0x6  }
0x6: {  	s29 =	simm.s32 $0x7;
	s30 =	simm.s32 $0x8;
	s31 =	simm.s32 $0x0  }
0x7: {  	s3 =	sand.u32 $0x1, s2;
	s4 =	sshll.u32 s7, $0xA;
	[smem:$0x7FF] =	sst s19  }
0x8: {  	s7 =	smul.u32 $0x320000, s7;
	s5 =	sshll.u32 s3, $0x9;
	_ =	strace $0x80000047  }
0x9: {  	s6 =	ssub.s32 $0x2, s3;
	s9 =	smul.u32 $0x190000, s3;
	s4 =	sor.u32 s5, s4  }
0xa: {  	s3 =	sadd.s32 $0xF42E00, s0;
	s8 =	sshrl.u32 s6, $0x1;
	s5 =	smul.u32 $0xC80, s4  }
0xb: {  	s4 =	sshrl.u32 s4, $0x3;
	s20 =	ssub.s32 s6, s8;
	s10 =	sadd.s32 s9, s7  }
0xc: {  	s4 =	sadd.s32 s4, s0;
	s23 =	sadd.s32 $0xC8040, s10;
	s9 =	sor.u32 $0x40, s10  }
0xd: {  	s11 =	sadd.s32 $0xC8000, s10;
	s26 =	sshrl.u32 s10, $0x3;
	s5 =	sshrl.u32 s5, $0x3  }
0xe: {  	s21 =	sadd.s32 $0xA00, s4;
	s0 =	sshrl.u32 s23, $0x3;
	s24 =	sshrl.u32 s9, $0x3  }
0xf: {  	s25 =	sshrl.u32 s11, $0x3;
	s11 =	sadd.s32 s26, s1;
	s23 =	simm.s32 $0xC80  }
.Ltmp0:
0x10: {  	s26 =	simm.s32 $0x5;
	[dreg:$0x3] =	wrdreg s21;
	(pc) =	sbr.rel .LBB2_1-.Ltmp0, $4  }
0x11: {  	s22 =	sadd.s32 s1, s5;
	s5 =	smax.u32 s20, $0x1;
	s8 =	sadd.s32 s0, s1  }
0x12: {  	s9 =	sadd.s32 s24, s1;
	s10 =	sadd.s32 s25, s1;
	s20 =	simm.s32 $0x12400  }
0x13: {  	s21 =	simm.s32 $0x1;
	s24 =	simm.s32 $0x3;
	s25 =	simm.s32 $0x4  }
0x14: {  	s6 =	sadd.s32 $0x19180, s22;
	s7 =	sadd.s32 $0x19188, s22;
	s22 =	simm.s32 $0x40  }
.LBB2_4:
0x15: {  	_ =	swait.ge [sflag:s25], $0x4000  }
0x16: {  	[sflag:s25] =	ssyncset.done $0x0  }
0x17: {  	[sflag:s25] =	ssyncadd.s32 $0xFFFFC000  }
0x18: {  	[hbm4b:s7+s22] =	stream.strided.scatter [tilespmem:s20], [sflag:$0x8], $0x4000, s23, s22, $0x38;
	[tilespmem:$0x16400] =	vst v63  }
0x19: {  	_ =	swait.ge [sflag:s26], $0x4000  }
0x1a: {  	[sflag:s26] =	ssyncset.done $0x0  }
0x1b: {  	[sflag:s26] =	ssyncadd.s32 $0xFFFFC000  }
0x1c: {  	_ =	swait.ge [sflag:s28], $0x4000  }
0x1d: {  	[sflag:s28] =	ssyncset.done $0x0  }
0x1e: {  	s31 =	sadd.s32 $0x1, s31;
	[sflag:s28] =	ssyncadd.s32 $0xFFFFC000  }
0x1f: {  	p0 =	sne.s32 s31, s5;
	_ =	swait.ge [sflag:s29], $0x4000  }
.Ltmp1:
0x20: {  	[sflag:s29] =	ssyncset.done $0x0;
	(pc) =	sbr.rel @!p0 .LBB2_5-.Ltmp1, $4  }
0x21: {  	[sflag:s29] =	ssyncadd.s32 $0xFFFFC000  }
0x22: {  	_ =	swait.ge [sflag:s30], $0x4000  }
0x23: {  	[sflag:s30] =	ssyncset.done $0x0  }
0x24: {  	[sflag:s30] =	ssyncadd.s32 $0xFFFFC000  }
.LBB2_1:
0x25: {  	s0 =	simm.s32 $0x0;
	s1 =	rddreg [dreg:$0x3];
	s2 =	simm.s32 $0x4000  }
0x26: {  	[tilespmem:s0], [sflag:$0x9] =	stream.strided.gather [hbm4b:s1+s12], $0x6400, s2, s12, $0x38;
	[tilespmem:$0x16400] =	vst v63  }
0x27: {  	_ =	swait.ge [sflag:s14], $0x6400  }
0x28: {  	[sflag:s14] =	ssyncset.done $0x0  }
0x29: {  	[sflag:s14] =	ssyncadd.s32 $0xFFFF9C00  }
0x2a: {  	[tilespmem:s16], [sflag:$0x1] =	stream.indirect.gather [hbm4b:s3+s15], $0x40, s0, s15, $0xb8;
	[tilespmem:$0x16400] =	vst v63  }
0x2b: {  	s17 =	simm.s32 $0xA400  }
0x2c: {  	[tilespmem:s17], [sflag:$0x2] =	stream.indirect.gather [hbm4b:s3+s15], $0x40, s15, s15, $0xb8;
	[tilespmem:$0x16400] =	vst v63  }
0x2d: {  	_ = 	snop  }
0x2e: {  	[tilespmem:s18], [sflag:$0x3] =	stream.indirect.gather [hbm4b:s3+s15], $0x40, s12, s15, $0xb8;
	[tilespmem:$0x16400] =	vst v63  }
0x2f: {  	s19 =	simm.s32 $0x300;
	s1 =	simm.s32 $0x0;
	s0 =	simm.s32 $0x700  }
0x30: {  	[tilespmem:s20], [sflag:$0x4] =	stream.indirect.gather [hbm4b:s3+s15], $0x40, s19, s15, $0xb8;
	[tilespmem:$0x16400] =	vst v63  }
.LBB2_2:
0x31: {  	_ =	swait.ge [sflag:s21], $0x4000  }
0x32: {  	[sflag:s21] =	ssyncset.done $0x0  }
0x33: {  	s13 =	sadd.s32 s1, s11;
	p0 =	seq.s32 s1, $0x180;
	[sflag:s21] =	ssyncadd.s32 $0xFFFFC000  }
0x34: {  	[hbm4b:s13+s22] =	stream.strided.scatter [tilespmem:s16], [sflag:$0x5], $0x4000, s23, s22, $0x38;
	[tilespmem:$0x16400] =	vst v63  }
0x35: {  	s13 =	simm.s32 @p0 $0x2  }
0x36: {  	_ =	swait.ge @p0 [sflag:s13], $0x4000  }
0x37: {  	s17 =	simm.s32 @p0 $0xC80;
	[sflag:s13] =	ssyncset.done @p0 $0x0  }
0x38: {  	s19 =	simm.s32 @p0 $0xA400;
	[sflag:s13] =	ssyncadd.s32 @p0 $0xFFFFC000;
	s13 =	simm.s32 @p0 $0x40  }
0x39: {  	[hbm4b:s6+s13] =	stream.strided.scatter @p0 [tilespmem:s19], [sflag:$0x6], $0x4000, s17, s13, $0x38;
	[tilespmem:$0x16400] =	vst v63  }
0x3a: {  	s13 =	simm.s32 @!p0 $0x5  }
0x3b: {  	_ =	swait.ge @!p0 [sflag:s13], $0x4000  }
0x3c: {  	s17 =	simm.s32 @!p0 $0x100;
	[sflag:s13] =	ssyncset.done @!p0 $0x0  }
0x3d: {  	s19 =	simm.s32 @!p0 $0x6400;
	[sflag:s13] =	ssyncadd.s32 @!p0 $0xFFFFC000;
	s13 =	sadd.s32 @!p0 $0xFFFFFD00, s0  }
0x3e: {  	[tilespmem:s19], [sflag:$0x1] =	stream.indirect.gather @!p0 [hbm4b:s3+s17], $0x40, s13, s17, $0xb8;
	[tilespmem:$0x16400] =	vst v63  }
0x3f: {  	s13 =	simm.s32 @!p0 $0x2  }
0x40: {  	_ =	swait.ge @!p0 [sflag:s13], $0x4000  }
0x41: {  	s2 =	simm.s32 @!p0 $0xC80;
	s4 =	simm.s32 @!p0 $0xA400;
	[sflag:s13] =	ssyncset.done @!p0 $0x0  }
0x42: {  	s19 =	simm.s32 @!p0 $0x40;
	[sflag:s13] =	ssyncadd.s32 @!p0 $0xFFFFC000;
	s13 =	sadd.s32 @!p0 s1, s10  }
0x43: {  	[hbm4b:s13+s19] =	stream.strided.scatter @!p0 [tilespmem:s4], [sflag:$0x6], $0x4000, s2, s19, $0x38;
	[tilespmem:$0x16400] =	vst v63  }
0x44: {  	s2 =	simm.s32 @!p0 $0x6  }
0x45: {  	_ =	swait.ge @!p0 [sflag:s2], $0x4000  }
0x46: {  	[sflag:s2] =	ssyncset.done @!p0 $0x0  }
0x47: {  	[sflag:s2] =	ssyncadd.s32 @!p0 $0xFFFFC000;
	s2 =	sadd.s32 @!p0 $0xFFFFFE00, s0  }
0x48: {  	[tilespmem:s4], [sflag:$0x2] =	stream.indirect.gather @!p0 [hbm4b:s3+s17], $0x40, s2, s17, $0xb8;
	[tilespmem:$0x16400] =	vst v63  }
.Ltmp2:
0x49: {  	_ = 	snop;
	(pc) =	sbr.rel @p0 .LBB2_4-.Ltmp2, $4  }
0x4a: {  	_ =	swait.ge [sflag:s24], $0x4000  }
0x4b: {  	[sflag:s24] =	ssyncset.done $0x0  }
0x4c: {  	s19 =	sadd.s32 s1, s9;
	[sflag:s24] =	ssyncadd.s32 $0xFFFFC000  }
0x4d: {  	[hbm4b:s19+s22] =	stream.strided.scatter [tilespmem:s18], [sflag:$0x7], $0x4000, s23, s22, $0x38;
	[tilespmem:$0x16400] =	vst v63  }
0x4e: {  	_ =	swait.ge [sflag:s29], $0x4000  }
0x4f: {  	[sflag:s29] =	ssyncset.done $0x0  }
0x50: {  	s2 =	sadd.s32 $0xFFFFFF00, s0;
	[sflag:s29] =	ssyncadd.s32 $0xFFFFC000  }
0x51: {  	[tilespmem:s18], [sflag:$0x3] =	stream.indirect.gather [hbm4b:s3+s15], $0x40, s2, s15, $0xb8;
	[tilespmem:$0x16400] =	vst v63  }
0x52: {  	_ =	swait.ge [sflag:s25], $0x4000  }
0x53: {  	[sflag:s25] =	ssyncset.done $0x0  }
0x54: {  	s19 =	sadd.s32 s1, s8;
	[sflag:s25] =	ssyncadd.s32 $0xFFFFC000  }
0x55: {  	[hbm4b:s19+s22] =	stream.strided.scatter [tilespmem:s20], [sflag:$0x8], $0x4000, s23, s22, $0x38;
	[tilespmem:$0x16400] =	vst v63  }
.Ltmp3:
0x56: {  	_ =	swait.ge [sflag:s30], $0x4000;
	(pc) =	sbr.rel .LBB2_2-.Ltmp3, $4  }
0x57: {  	[sflag:s30] =	ssyncset.done $0x0  }
0x58: {  	[sflag:s30] =	ssyncadd.s32 $0xFFFFC000  }
0x59: {  	[tilespmem:s20], [sflag:$0x4] =	stream.indirect.gather [hbm4b:s3+s15], $0x40, s0, s15, $0xb8;
	[tilespmem:$0x16400] =	vst v63  }
0x5a: {  	s1 =	sadd.s32 $0x10, s1;
	s0 =	sadd.s32 $0x400, s0  }
.LBB2_5:
0x5b: {  	_ =	sfence.sel $0x180000  }
0x5c: {  	[bflag:$0x0] =	sbarrier.arrive $0xFFFF  }
0x5d: {  	_ =	strace $0x90000047  }
0x5e: {  	s0 =	stileid.u32;
	[bflag:$0x2] =	sbarrier.arrive $0xFFFF  }
0x5f: {  	p0 =	sne.s32 s0, $0x0;
	s0 =	rddreg [dreg:$0x2]  }
0x60: {  	s0 =	sadd.s32 @!p0 $0x100000, s0  }
0x61: {  	[sflag:s0] =	ssyncadd.tile.s32 @!p0 $0x1;
	_ =	shalt  }
.Lfunc_end2:
_tile_overlayer_lowered:
.L_overlay_start_2:
0x62: {  	(tag) =	ssettag $0x2  }
0x63: {  	s0 =	rddreg [dreg:$0x0];
	s2 =	stileid.u32  }
0x64: {  	s1 =	rddreg [dreg:$0x1];
	p0 =	sne.s32 s2, $0x0  }
0x65: {  	s3 =	rddreg [dreg:$0x2];
	[bflag:$0x3] =	sbarrier.arrive $0xFFFF;
	s2 =	simm.s32 @!p0 $0x1C09  }
0x66: {  	[timem:s3], [sflag:s2] =	dma.local @!p0 [hbm:s0], s1  }
0x67: {  	s0 =	simm.s32 @!p0 $0x9  }
0x68: {  	_ =	swait.ge @!p0 [sflag:s0], s1  }
0x69: {  	s1 =	ssub.s32 @!p0 $0x0, s1;
	[sflag:s0] =	ssyncset.done @!p0 $0x0  }
0x6a: {  	[sflag:s0] =	ssyncadd.s32 @!p0 s1  }
0x6b: {  	[bflag:$0x3] =	sbarrier.arrive $0xFFFF  }
0x6c: {  	_ =	shalt  }

// kernel: sparse-core-data-format-call.cloned.1.call-start
scs
called_computation_lowered:
.L_overlay_start_0:
0x0: {  	s2 =	sld [smem:$0x3FD9]  }
0x1: {  	s3 =	sld [smem:$0x3FFE];
	_ =	sdelay $0x1  }
0x2: {  	s1 =	srdreg.scid  }
0x3: {  	s0 =	sand.u32 $0x1, s1  }
0x4: {  	s18 =	sshll.u32 s0, $0xA;
	s2 =	sadd.s32 s3, s2  }
0x5: {  	s2 =	sadd.s32 s2, s18  }
0x6: {  	[smem:$0x3FC6] =	sst s2  }
0x7: {  	_ = 	snop  }
0x8: {  	s2 =	sld [smem:$0x3FD0];
	(tm) =	ssettm $0x1  }
0x9: {  	s19 =	sld [smem:$0x3FFB];
	_ =	sdelay $0x3  }
0xa: {  	_ =	strace s19  }
0xb: {  	s3 =	sld [smem:$0x3FFC];
	_ =	sdelay $0x3  }
0xc: {  	_ =	strace s3  }
0xd: {  	s3 =	sld [smem:$0x3FFD];
	_ =	sdelay $0x3  }
0xe: {  	_ =	strace s3  }
0xf: {  	_ =	strace $0x8FFFFFFF  }
0x10: {  	s20 =	sld [smem:$0x3FDB];
	_ =	sdelay $0x1  }
0x11: {  	s4 =	simm.s32 $_scs_section_size  }
0x12: {  	s5 =	simm.s32 $_size__tile_overlayer_lowered;
	s6 =	simm.s32 $_tile_overlayer_lowered  }
0x13: {  	s23 =	simm.s32 $0x1BFF;
	s22 =	sshll.u32 s6, $0x1;
	s3 =	sadd.s32 s4, s20  }
0x14: {  	s7 =	simm.s32 $0x0;
	s21 =	sshll.u32 s5, $0x1;
	s5 =	sadd.s32 s22, s3  }
0x15: {  	[timem:s7], [sflag:s23] =	dma.local [hbm:s5], s21  }
0x16: {  	_ =	swait.ge [sflag:s23], s21  }
0x17: {  	s4 =	ssub.s32 $0x0, s21;
	[sflag:s23] =	ssyncset.done $0x0  }
0x18: {  	[sflag:s23] =	ssyncadd.s32 s4;
	_ =	sdelay $0x1  }
0x19: {  	s24 =	simm.s32 $0x1B8B  }
0x1a: {  	_ =	swait.ge [sflag:s24], $0x1  }
0x1b: {  	[sflag:s24] =	ssyncset.done $0x0  }
0x1c: {  	s26 =	simm.s32 $0x1B8E;
	s25 =	sld [smem:$0x3FFE];
	[sflag:s24] =	ssyncadd.s32 $0xFFFFFFFF  }
0x1d: {  	s27 =	simm.s32 $execute0_lowered;
	[smem:$0x3FD2] =	sst s26  }
0x1e: {  	s5 =	sshll.u32 s27, $0x1;
	_ =	strace $0x80000049;
	[dreg:$0x1] =	wrdreg $0xFFFFFFFF  }
0x1f: {  	s28 =	simm.s32 $_size_execute0_lowered;
	s3 =	sadd.s32 s3, s5;
	[dreg:$0x0] =	wrdreg $0x0  }
0x20: {  	s5 =	sshll.u32 s28, $0x1;
	[dreg:$0x2] =	wrdreg s3  }
0x21: {  	[dreg:$0x3] =	wrdreg s5  }
0x22: {  	[dreg:$0x4] =	wrdreg $0xC0  }
0x23: {  	_ =	task [dreg:s7], $0x5FFFF  }
0x24: {  	[dreg:$0x1] =	wrdreg $0xFFFFFFFF  }
0x25: {  	[dreg:$0x0] =	wrdreg $0x60  }
0x26: {  	[dreg:$0x2] =	wrdreg s25  }
0x27: {  	[dreg:$0x3] =	wrdreg s2  }
0x28: {  	[dreg:$0x4] =	wrdreg $0x9  }
0x29: {  	_ =	task.clear_ibuf [dreg:s7], $0x5FFFF;
	_ =	strace $0x90000049  }
0x2a: {  	s29 =	simm.s32 $0x9;
	_ =	strace $0x8000004B  }
0x2b: {  	_ =	swait.ge [sflag:s29], $0x1  }
0x2c: {  	[sflag:s29] =	ssyncadd.s32 $0xFFFFFFFF  }
0x2d: {  	_ =	strace $0x9000004B  }
0x2e: {  	_ =	sfence  }
0x2f: {  	s30 =	sld [smem:$0x0];
	_ =	sdelay $0x2  }
0x30: {  	s31 =	sshll.u32 s1, $0xD;
	s1 =	sshrl.u32 s1, $0x2  }
0x31: {  	s3 =	sand.u32 $0x4000, s31;
	s1 =	sadd.s32 s1, s30  }
0x32: {  	s0 =	sor.u32 s3, s0;
	s1 =	sshll.u32 s1, $0x11  }
0x33: {  	s0 =	sor.u32 s1, s0  }
0x34: {  	s0 =	sadd.s32 $0x8F2B, s0  }
0x35: {  	[sflag:s0] =	ssyncadd.remote.s32 $0x1  }
0x36: {  	_ =	sfence.sel $0xFFFF  }
0x37: {  	[dreg:$0x0] =	wrdreg $0xFFFFFFFF;
	(pc) =	sbr.abs _section_cstart, $3  }
0x38: {  	[dreg:$0x1] =	wrdreg $0xFFFFFFFF  }
0x39: {  	_ =	task.clear_ibuf [dreg:s7], $0x2FFFF;
	_ =	strace $0x9FFFFFFF  }
0x3a: {  	(tm) =	ssettm $0x7FFFFFFF  }
0x3b: {  	_ =	shalt  }
tec
execute0_lowered:
.L_overlay_start_1:
0x0: {  	(tag) =	ssettag $0x1  }
0x1: {  	s0 =	srdreg.scid  }
0x2: {  	s1 =	sshll.u32 s0, $0x4  }
0x3: {  	s0 =	stileid.u32;
	s1 =	sand.u32 $0x10, s1  }
0x4: {  	s1 =	sor.u32 s0, s1  }
0x5: {  	s6 =	rddreg [dreg:$0x0];
	s4 =	simm.s32 $0x1;
	s2 =	sshll.u32 s1, $0x7  }
0x6: {  	s7 =	simm.s32 $0x2;
	s12 =	simm.s32 $0x0;
	s1 =	ssub.s32 $0x4000, s2  }
0x7: {  	s8 =	simm.s32 $0x20000;
	s13 =	simm.s32 $0x0;
	s3 =	sand.u32 $0xF80, s1  }
0x8: {  	s9 =	simm.s32 $0x0;
	s5 =	sshrl.u32 s1, $0xC;
	p0 =	sne.s32 s3, $0x0  }
.Ltmp0:
0x9: {  	s1 =	rddreg [dreg:$0x2];
	s4 =	simm.s32 @!p0 $0x0;
	(pc) =	sbr.rel .LBB1_1-.Ltmp0, $4  }
0xa: {  	s11 =	simm.s32 $0x0;
	s3 =	rddreg [dreg:$0x1];
	s5 =	sadd.s32 s4, s5  }
0xb: {  	_ =	strace $0x8000004A;
	s4 =	simm.s32 $0x1;
	s5 =	smul.u32 $0x32, s5  }
0xc: {  	s6 =	sadd.s32 $0xA00, s6;
	s10 =	smov.u32 s2;
	[sflag:s4] =	ssyncpa.u1 $0x0  }
0xd: {  	p0 =	por $0x0, $0x0;
	[sflag:s7] =	ssyncpa.u1 $0x0;
	s7 =	sor.u32 $0x1, s5  }
.LBB1_4:
0xe: {  	s16 =	sshll.u32 s13, $0x3;
	s17 =	sand.u32 $0x78, s13  }
0xf: {  	s30 =	sand.u32 $0x1F800, s13;
	s12 =	sshll.u32 s12, $0x11;
	s16 =	sand.u32 $0x3C00, s16  }
0x10: {  	[tilespmem:s15+$0x810 ss:$0x81] =	vst.msk $0xffff, v2;
	s31 =	sand.u32 $0x7, s13;
	s16 =	sor.u32 s17, s16;
	s17 =	sadd.s32 s3, s30  }
0x11: {  	[tilespmem:s15+$0x1020 ss:$0x81] =	vst.msk $0xffff, v0;
	s13 =	sshll.u32 s31, $0x12;
	s12 =	sadd.s32 s12, s17;
	s16 =	sshrl.u32 s16, $0x3  }
0x12: {  	[tilespmem:s15+$0x0 ss:$0x81] =	vst.msk $0xffff, v1;
	s13 =	sor.u32 $0x400, s13;
	s12 =	sadd.s32 s16, s12  }
0x13: {  	[hbm4b:s12+s13] =	stream.strided.scatter [tilespmem:s14], [sflag:$0x2], $0x2000, s8, s13, $0x20;
	[tilespmem:$0x8080] =	vst v63  }
.LBB1_5:
0x14: {  	s14 =	sadd.s32 $0x1, s9  }
0x15: {  	s12 =	sadd.s32 $0x1000, s10;
	s16 =	smov.u32 s10;
	p2 =	sgt.s32 s14, $0x31  }
0x16: {  	s16 =	smov.u32 @p2 s12  }
0x17: {  	s14 =	simm.s32 @p2 $0x0;
	p2 =	sgt.s32 s16, $0x3FFF  }
0x18: {  	s16 =	smov.u32 @p2 s2;
	p2 =	sne.s32 s11, s7  }
.Ltmp1:
0x19: {  	p1 =	slt.u32 s11, $0x2;
	(pc) =	sbr.rel @!p2 .LBB1_6-.Ltmp1, $4  }
0x1a: {  	s15 =	simm.s32 @!p1 $0x2  }
0x1b: {  	s13 =	smov.u32 s10;
	p0 =	por !p0, !p0;
	_ =	swait.ge @!p1 [sflag:s15], $0x2000  }
0x1c: {  	s12 =	smov.u32 s9;
	[sflag:s15] =	ssyncset.done @!p1 $0x0;
	s9 =	smov.u32 s14  }
0x1d: {  	s11 =	sadd.s32 $0x1, s11;
	[sflag:s15] =	ssyncadd.s32 @!p1 $0xFFFFE000;
	s10 =	smov.u32 s16  }
.LBB1_1:
0x1e: {  	p1 =	sge.u32 s11, s5  }
0x1f: {  	s14 =	sand.u32 @!p1 $0x1FFFFFF, s9  }
0x20: {  	s15 =	smulhi.u32 @!p1 $0x4924925, s14;
	_ =	sdelay $0x1  }
0x21: {  	s15 =	smul.u32 @!p1 $0x38, s15  }
0x22: {  	s16 =	sxor.u32 @!p1 $0xFFFFFFFF, s11;
	s17 =	smul.u32 @!p1 $0x380, s10  }
0x23: {  	s31 =	sadd.s32 $0xFFFFFFFF, s11;
	s16 =	sshll.u32 @!p1 s16, $0xD;
	s14 =	ssub.s32 @!p1 s14, s15  }
0x24: {  	s15 =	sand.u32 @!p1 $0x2000, s16;
	s16 =	sadd.s32 @!p1 s6, s17;
	s14 =	sshll.u32 @!p1 s14, $0x4  }
0x25: {  	s17 =	simm.s32 @!p1 $0x1C00;
	s14 =	sadd.s32 @!p1 s14, s16;
	s16 =	simm.s32 @!p1 $0x40  }
0x26: {  	[tilespmem:s15], [sflag:$0x1] =	stream.strided.gather @!p1 [hbm4b:s14+s16], $0x2000, s17, s16, $0x38;
	[tilespmem:$0x8080] =	vst v63  }
0x27: {  	p1 =	sge.u32 s31, s5  }
.Ltmp2:
0x28: {  	_ = 	snop;
	(pc) =	sbr.rel @p1 .LBB1_5-.Ltmp2, $1  }
0x29: {  	_ =	sdelay $0x3  }
0x2a: {  	s14 =	simm.s32 $0x1  }
0x2b: {  	_ =	swait.ge [sflag:s4], $0x2000;
	s14 =	simm.s32 @!p0 $0x0  }
0x2c: {  	[sflag:s4] =	ssyncset.done $0x0;
	s15 =	sshll.u32 s14, $0xD  }
0x2d: {  	[sflag:s4] =	ssyncadd.s32 $0xFFFFE000;
	s18 =	sor.u32 $0x20, s15  }
0x2e: {  	s14 =	smul.u32 $0x8100, s14;
	v3 =	vld [tilespmem:s18+$0x10]  }
0x2f: {  	s30 =	sand.u32 $0x1, s11;
	v2 =	vld [tilespmem:s18+$0xFFFFFFF0]  }
0x30: {  	s15 =	smul.u32 $0x8100, s30;
	s14 =	sshrl.u32 s14, $0x2;
	v0 =	vld [tilespmem:s18+$0x0]  }
0x31: {  	v1 =	vld [tilespmem:s18+$0xFFFFFFE0];
	s16 =	sor.u32 $0x4000, s14  }
0x32: {  	s31 =	sshrl.u32 s15, $0x2;
	s15 =	sadd.s32 $0x0, s16  }
0x33: {  	s17 =	simm.s32 $0x4;
	s18 =	sadd.s32 $0x40, s18;
	s14 =	sor.u32 $0x4000, s31;
	[tilespmem:s15+$0x1830 ss:$0x81] =	vst.msk $0xffff, v3  }
.LBB1_3:
0x34: {  	v3 =	vld [tilespmem:s18+$0x10];
	p1 =	sne.s32 s17, $0x1FC;
	[tilespmem:s15+$0x810 ss:$0x81] =	vst.msk $0xffff, v2;
	s19 =	smov.u32 s17;
	s17 =	sadd.s32 $0x4, s17  }
.Ltmp3:
0x35: {  	v2 =	vld [tilespmem:s18+$0xFFFFFFF0];
	[tilespmem:s15+$0x1020 ss:$0x81] =	vst.msk $0xffff, v0;
	(pc) =	sbr.rel @p1 .LBB1_3-.Ltmp3, $4  }
0x36: {  	v0 =	vld [tilespmem:s18+$0x0];
	[tilespmem:s15+$0x0 ss:$0x81] =	vst.msk $0xffff, v1  }
0x37: {  	s15 =	sshra.s32 s19, $0x2;
	v1 =	vld [tilespmem:s18+$0xFFFFFFE0]  }
0x38: {  	s15 =	sadd.s32 s15, s16  }
0x39: {  	s18 =	sadd.s32 $0x40, s18;
	[tilespmem:s15+$0x1830 ss:$0x81] =	vst.msk $0xffff, v3  }
.Ltmp4:
0x3a: {  	_ = 	snop;
	(pc) =	sbr.rel .LBB1_4-.Ltmp4, $1  }
0x3b: {  	_ =	sdelay $0x3  }
.LBB1_6:
0x3c: {  	_ =	sfence.sel $0x180000  }
0x3d: {  	s2 =	simm.s32 $0x1;
	[bflag:$0x0] =	sbarrier.arrive $0xFFFF  }
0x3e: {  	s31 =	simm.s32 $0x2;
	[sflag:s2] =	ssyncpa.u1 $0x1  }
0x3f: {  	[sflag:s31] =	ssyncpa.u1 $0x1  }
0x40: {  	p0 =	sne.s32 s0, $0x0;
	_ =	strace $0x9000004A  }
0x41: {  	s0 =	sadd.s32 @!p0 $0x100000, s1;
	[bflag:$0x2] =	sbarrier.arrive $0xFFFF  }
0x42: {  	[sflag:s0] =	ssyncadd.tile.s32 @!p0 $0x1;
	_ =	shalt  }
.Lfunc_end1:
_tile_overlayer_lowered:
.L_overlay_start_2:
0x43: {  	(tag) =	ssettag $0x2  }
0x44: {  	s0 =	rddreg [dreg:$0x0];
	s2 =	stileid.u32  }
0x45: {  	s1 =	rddreg [dreg:$0x1];
	p0 =	sne.s32 s2, $0x0  }
0x46: {  	s3 =	rddreg [dreg:$0x2];
	[bflag:$0x3] =	sbarrier.arrive $0xFFFF;
	s2 =	simm.s32 @!p0 $0x1C01  }
0x47: {  	[timem:s3], [sflag:s2] =	dma.local @!p0 [hbm:s0], s1  }
0x48: {  	s0 =	simm.s32 @!p0 $0x1  }
0x49: {  	_ =	swait.ge @!p0 [sflag:s0], s1  }
0x4a: {  	s1 =	ssub.s32 @!p0 $0x0, s1;
	[sflag:s0] =	ssyncset.done @!p0 $0x0  }
0x4b: {  	[sflag:s0] =	ssyncadd.s32 @!p0 s1  }
0x4c: {  	[bflag:$0x3] =	sbarrier.arrive $0xFFFF  }
0x4d: {  	_ =	shalt  }

</sc_bundles>
